<compile_context>
chip_gen: v7x
topology: tpu7x:2x2x1
jax: 0.10.2.dev20260603
libtpu: 0.0.44.dev20260713+nightly
codegen_flags: <defaults>
</compile_context>

<pallas_src>
import dataclasses

import jax
import jax.numpy as jnp
from jax.experimental import pallas as pl
from jax.experimental.pallas import tpu as pltpu
from jax.experimental.pallas import tpu_sc as plsc

T = 4
N = 116
HID = 16
BERT = 768
E = 2048
D_CAT = BERT + HID
NEG = -1e30
NP = 128
SEG = (N * NP) // 8

_SC_PARAMS = pltpu.CompilerParams()
if "needs_layout_passes" in pltpu.CompilerParams.__dataclass_fields__:
    _SC_PARAMS = dataclasses.replace(_SC_PARAMS, needs_layout_passes=False)


def _hist_body(hg_ref, out_ref, vbuf, ebuf, hist_e, sem1, sem2):
    wid = jax.lax.axis_index("c") * 16 + jax.lax.axis_index("s")
    t = wid // 8
    w = wid % 8
    lo = w * SEG

    cp1 = pltpu.async_copy(hg_ref.at[t, 0], vbuf, sem1)
    cp2 = pltpu.async_copy(hg_ref.at[t, 1], ebuf, sem2)

    zeros16 = jnp.zeros((16,), jnp.float32)

    @pl.loop(0, SEG, step=16, unroll=8)
    def _(i):
        hist_e[pl.ds(i, 16)] = zeros16

    cp1.wait()
    cp2.wait()

    ones16 = jnp.full((16,), 1.0, jnp.float32)

    @pl.loop(0, E, step=16, unroll=4)
    def _(j):
        v16 = vbuf[pl.ds(j, 16)]
        e16 = ebuf[pl.ds(j, 16)]
        idx = e16 * NP + v16 - lo
        mask = plsc.bitcast(idx, jnp.uint32) < SEG
        plsc.addupdate_scatter(hist_e, [idx], ones16, mask=mask)

    pltpu.async_copy(hist_e, out_ref.at[wid], sem1).wait()


def _histograms(hgs):
    k = pl.kernel(
        _hist_body,
        out_type=jax.ShapeDtypeStruct((32, SEG), jnp.float32),
        mesh=plsc.VectorSubcoreMesh(core_axis_name="c", subcore_axis_name="s"),
        scratch_types=[
            pltpu.VMEM((E,), jnp.int32),
            pltpu.VMEM((E,), jnp.int32),
            pltpu.VMEM((SEG,), jnp.float32),
            pltpu.SemaphoreType.DMA,
            pltpu.SemaphoreType.DMA,
        ],
        compiler_params=_SC_PARAMS,
    )
    return k(hgs)


def _lstm_gates_t(z, c):
    i = jax.nn.sigmoid(z[0:HID])
    f = jax.nn.sigmoid(z[HID:2 * HID])
    g = jnp.tanh(z[2 * HID:3 * HID])
    o = jax.nn.sigmoid(z[3 * HID:4 * HID])
    c = f * c + i * g
    return o * jnp.tanh(c), c


def _tc_body(ch_ref, ne_ref, pr_ref, wih1_ref, whh1_ref, b1_ref, wvc_ref,
             wecs_ref, wec_ref, bec_ref, wih2_ref, whh2_ref, b2_ref,
             wqin_ref, wout_ref, wfc_ref, bfc_ref, out_ref):
    f32 = jnp.float32
    mm = (((1,), (0,)), ((), ()))
    cdims = (((1,), (1,)), ((), ()))
    ccol = (((0,), (0,)), ((), ()))

    def dot(a, b, d):
        return jax.lax.dot_general(a, b, d, preferred_element_type=f32)

    h = jnp.zeros((HID, N), f32)
    c = jnp.zeros((HID, N), f32)
    new_prices = []
    sv_cols = []
    for t in range(T):
        z = (dot(wih1_ref[...], pr_ref[t], cdims)
             + dot(whh1_ref[...], h, mm)
             + b1_ref[...])
        h, c = _lstm_gates_t(z, c)
        new_prices.append(h)
        sv_cols.append(dot(h, wvc_ref[...], ccol))

    wct1 = dot(wih2_ref[...], wec_ref[0:HID], cdims)
    wct2 = dot(wih2_ref[...], wec_ref[HID:], cdims)
    bc = dot(wih2_ref[...], bec_ref[...], cdims)

    zin = []
    for t in range(T):
        cev = ch_ref[t][:, 0:N]
        cve = cev.T
        pe = new_prices[t]
        sv_col = sv_cols[t]
        mk1 = cve > 0
        m1 = jnp.max(jnp.where(mk1, sv_col, NEG), axis=0, keepdims=True)
        m1 = jnp.where(m1 > 0.5 * NEG, m1, 0.0)
        a1 = jnp.where(mk1, cve * jnp.exp(sv_col - m1), 0.0)
        den1 = jnp.sum(a1, axis=0, keepdims=True)
        he = dot(pe, a1, mm) / (den1 + 1e-9)

        ae = ne_ref[t]
        sc_col = (dot(he, wecs_ref[0:HID], ccol)
                  + dot(ae, wecs_ref[HID:], mm))
        mk2 = cev > 0
        m2 = jnp.max(jnp.where(mk2, sc_col, NEG), axis=0, keepdims=True)
        m2 = jnp.where(m2 > 0.5 * NEG, m2, 0.0)
        a2 = jnp.where(mk2, cev * jnp.exp(sc_col - m2), 0.0)
        den2 = jnp.sum(a2, axis=0, keepdims=True)
        hcw = (dot(wct1, he, mm)
               + dot(wct2, ae, cdims))
        aggw = dot(hcw, a2, mm) / (den2 + 1e-9)
        zin.append(jnp.where(den2 > 0, aggw + bc, 0.0))

    h2 = jnp.zeros((HID, N), f32)
    c2 = jnp.zeros((HID, N), f32)
    la = []
    for t in range(T):
        z = zin[t] + dot(whh2_ref[...], h2, mm) + b2_ref[...]
        h2, c2 = _lstm_gates_t(z, c2)
        la.append(h2 + new_prices[t])

    q = la[T - 1]
    qp = dot(wqin_ref[...], q, mm)
    scores = [jnp.sum(qp * la[t], axis=0, keepdims=True) for t in range(T)]
    m = scores[0]
    for t in range(1, T):
        m = jnp.maximum(m, scores[t])
    ws = [jnp.exp(scores[t] - m) for t in range(T)]
    den = ws[0]
    for t in range(1, T):
        den = den + ws[t]
    mix = ws[0] * la[0]
    for t in range(1, T):
        mix = mix + ws[t] * la[t]
    mix = mix / den
    mq = jnp.concatenate([mix, q], axis=0)
    comb = jnp.tanh(dot(wout_ref[...], mq, mm))
    out_ref[...] = (dot(wfc_ref[...], comb, mm)
                    + bfc_ref[...]).T


def kernel(hgs, node_embs, prices, Wih1, Whh1, b1, w_vc, w_ec_score, W_ec,
           b_ec, Wih2, Whh2, b2, W_qin, W_out, W_fc, b_fc):
    f32 = jnp.float32
    ch = _histograms(hgs.astype(jnp.int32)).reshape(T, N, NP)

    return pl.pallas_call(
        _tc_body,
        out_shape=jax.ShapeDtypeStruct((N, 2), f32),
    )(ch, node_embs, prices, Wih1, Whh1, b1.reshape(4 * HID, 1),
      w_vc.reshape(HID, 1), w_ec_score.reshape(D_CAT, 1), W_ec,
      b_ec.reshape(1, D_CAT), Wih2, Whh2, b2.reshape(4 * HID, 1),
      W_qin, W_out, W_fc, b_fc.reshape(2, 1))

# --- scband reference (transcript-rebuilt; emitter-appended) ---
"""Pipeline reference for scband-stock-model-14010183320166 (READ-ONLY COPY).

The authoritative reference and input builder live on the scoring server;
editing this copy changes nothing except your own understanding.
"""

import jax, jax.numpy as jnp
import numpy as np

STOCK_NUM = 116
HID = 16
BERT = 768
T = 4
E = 2048
D_CAT = BERT + HID


def setup_inputs(seed: int = 0) -> dict:
    key = jax.random.key(seed)
    ks = jax.random.split(key, 20)
    s = 0.05
    inp = {}
    inp["hgs"] = jax.random.randint(ks[0], (T, 2, E), 0, STOCK_NUM)
    inp["node_embs"] = jax.random.normal(ks[1], (T, STOCK_NUM, BERT), dtype=jnp.float32)
    inp["prices"] = jax.random.normal(ks[2], (T, STOCK_NUM, 1), dtype=jnp.float32)
    inp["Wih1"] = jax.random.normal(ks[3], (4 * HID, 1), dtype=jnp.float32) * s
    inp["Whh1"] = jax.random.normal(ks[4], (4 * HID, HID), dtype=jnp.float32) * s
    inp["b1"] = jnp.zeros((4 * HID,), dtype=jnp.float32)
    inp["w_vc"] = jax.random.normal(ks[5], (HID,), dtype=jnp.float32) * s
    inp["w_ec_score"] = jax.random.normal(ks[6], (D_CAT,), dtype=jnp.float32) * s
    inp["W_ec"] = jax.random.normal(ks[7], (D_CAT, D_CAT), dtype=jnp.float32) * (1.0 / np.sqrt(D_CAT))
    inp["b_ec"] = jnp.zeros((D_CAT,), dtype=jnp.float32)
    inp["Wih2"] = jax.random.normal(ks[8], (4 * HID, D_CAT), dtype=jnp.float32) * s
    inp["Whh2"] = jax.random.normal(ks[9], (4 * HID, HID), dtype=jnp.float32) * s
    inp["b2"] = jnp.zeros((4 * HID,), dtype=jnp.float32)
    inp["W_qin"] = jax.random.normal(ks[10], (HID, HID), dtype=jnp.float32) * s
    inp["W_out"] = jax.random.normal(ks[11], (HID, 2 * HID), dtype=jnp.float32) * s
    inp["W_fc"] = jax.random.normal(ks[12], (2, HID), dtype=jnp.float32) * s
    inp["b_fc"] = jnp.zeros((2,), dtype=jnp.float32)
    return inp


def _lstm(x, Wih, Whh, b):
    Tn, B, _ = x.shape
    H = Whh.shape[1]
    h = jnp.zeros((B, H), dtype=x.dtype)
    c = jnp.zeros((B, H), dtype=x.dtype)
    outs = []
    for t in range(Tn):
        z = x[t] @ Wih.T + h @ Whh.T + b
        i, f, g, o = jnp.split(z, 4, axis=-1)
        i = jax.nn.sigmoid(i)
        f = jax.nn.sigmoid(f)
        g = jnp.tanh(g)
        o = jax.nn.sigmoid(o)
        c = f * c + i * g
        h = o * jnp.tanh(c)
        outs.append(h)
    return jnp.stack(outs, axis=0)


def _seg_softmax_agg(feats, scores, seg, n):
    smax = jax.ops.segment_max(scores, seg, num_segments=n)
    smax = jnp.where(jnp.isfinite(smax), smax, 0.0)
    ex = jnp.exp(scores - smax[seg])
    denom = jax.ops.segment_sum(ex, seg, num_segments=n)
    agg = jax.ops.segment_sum(feats * ex[:, None], seg, num_segments=n)
    return agg / (denom[:, None] + 1e-9), denom


def reference(hgs, node_embs, prices, Wih1, Whh1, b1, w_vc, w_ec_score, W_ec, b_ec, Wih2, Whh2, b2, W_qin, W_out, W_fc, b_fc):
    # price LSTM over lookback window (seq-first, batch = stocks)
    new_prices = _lstm(prices, Wih1, Whh1, b1)  # (T, N, HID)
    hg_list = []
    for t in range(T):
        v = hgs[t, 0]  # vertex ids per incidence (E,)
        e = hgs[t, 1]  # hyperedge ids per incidence (E,)
        pe = new_prices[t]  # (N, HID)
        ae = node_embs[t]  # (N, BERT)
        # VertexConv: attention-pool member node price embeddings into hyperedge emb
        nf = pe[v]  # (E, HID) gather
        s1 = nf @ w_vc  # (E,)
        he, _ = _seg_softmax_agg(nf, s1, e, STOCK_NUM)  # (N_he, HID)
        he_cat = jnp.concatenate([he, ae], axis=-1)  # (N_he, D_CAT) concat article emb
        # EdgeConv: attention-pool incident hyperedge embs per vertex, then project
        inc = he_cat[e]  # (E, D_CAT) gather
        s2 = inc @ w_ec_score
        agg, denom = _seg_softmax_agg(inc, s2, v, STOCK_NUM)
        ec = jnp.where(denom[:, None] > 0, agg @ W_ec + b_ec, 0.0)  # scatter-accumulated hg_tensor
        hg_list.append(ec)
    hg_out = jnp.stack(hg_list, axis=0)  # (T, N, D_CAT)
    lstm_out = _lstm(hg_out, Wih2, Whh2, b2)  # (T, N, HID)
    la = lstm_out + new_prices
    # Luong 'general' attention: query = last step, context = all steps
    q = la[-1]  # (N, HID)
    ctx = jnp.transpose(la, (1, 0, 2))  # (N, T, HID)
    qp = q @ W_qin.T
    scores = jnp.einsum('bd,btd->bt', qp, ctx)
    w = jax.nn.softmax(scores, axis=-1)
    mix = jnp.einsum('bt,btd->bd', w, ctx)
    comb = jnp.tanh(jnp.concatenate([mix, q], axis=-1) @ W_out.T)
    out = comb @ W_fc.T + b_fc  # (N, 2); dropout is identity in eval
    return out

if __name__ == "__main__":
    import jax
    _d = setup_inputs()
    print(jax.jit(kernel)(*tuple(_d.values())))

</pallas_src>

<mosaic_0001>
#map = affine_map<(d0, d1) -> (0, 0, 0)>
#map1 = affine_map<(d0, d1) -> (0, 0)>
module attributes {stable_mosaic.version = 14 : i64} {
  func.func @_hist_body(%arg0: i32, %arg1: i32, %arg2: memref<4x2x2048xi32, #tpu.memory_space<hbm>>, %arg3: memref<32x1856xf32, #tpu.memory_space<hbm>>, %arg4: memref<2048xi32, #tpu.memory_space<vmem>>, %arg5: memref<2048xi32, #tpu.memory_space<vmem>>, %arg6: memref<1856xf32, #tpu.memory_space<vmem>>, %arg7: memref<!tpu.dma_semaphore, #tpu.memory_space<semaphore_mem>>, %arg8: memref<!tpu.dma_semaphore, #tpu.memory_space<semaphore_mem>>) attributes {dimension_semantics = [#tpu.dimension_semantics<core_parallel>, #tpu.dimension_semantics<subcore_parallel>], iteration_bounds = array<i64: 2, 16>, scalar_prefetch = 0 : i64, scratch_operands = 5 : i64, tpu.core_type = #tpu.core_type<sc_vector_subcore>, window_params = [{transform_indices = #map}, {transform_indices = #map1}]} {
    %mul3A = arith.constant 16 : i32
    %mul3A_0 = arith.muli %arg0, %mul3A : i32
    %add3A = arith.addi %mul3A_0, %arg1 : i32
    %jit3A = arith.constant 8 : i32
    %div3A = arith.divsi %add3A, %jit3A : i32
    %sign3A = arith.constant 0 : i32
    %sign3A_1 = arith.cmpi sgt, %add3A, %sign3A : i32
    %sign3A_2 = arith.extui %sign3A_1 : i1 to i32
    %sign3A_3 = arith.constant 0 : i32
    %sign3A_4 = arith.cmpi slt, %add3A, %sign3A_3 : i32
    %sign3A_5 = arith.extui %sign3A_4 : i1 to i32
    %sign3A_6 = arith.subi %sign3A_2, %sign3A_5 : i32
    %sign3A_7 = arith.constant 0 : i32
    %sign3A_8 = arith.cmpi sgt, %jit3A, %sign3A_7 : i32
    %sign3A_9 = arith.extui %sign3A_8 : i1 to i32
    %sign3A_10 = arith.constant 0 : i32
    %sign3A_11 = arith.cmpi slt, %jit3A, %sign3A_10 : i32
    %sign3A_12 = arith.extui %sign3A_11 : i1 to i32
    %sign3A_13 = arith.subi %sign3A_9, %sign3A_12 : i32
    %ne3A = arith.cmpi ne, %sign3A_6, %sign3A_13 : i32
    %rem3A = arith.remsi %add3A, %jit3A : i32
    %ne3A_14 = arith.constant 0 : i32
    %ne3A_15 = arith.cmpi ne, %rem3A, %ne3A_14 : i32
    %and3A = arith.andi %ne3A, %ne3A_15 : i1
    %sub3A = arith.constant 1 : i32
    %sub3A_16 = arith.subi %div3A, %sub3A : i32
    %select_n3A = arith.select %and3A, %sub3A_16, %div3A : i32
    %jit3A_17 = arith.constant 8 : i32
    %eq3A = arith.constant 0 : i32
    %eq3A_18 = arith.cmpi eq, %jit3A_17, %eq3A : i32
    %jit3A_19 = arith.constant 1 : i32
    %select_n3A_20 = arith.select %eq3A_18, %jit3A_19, %jit3A_17 : i32
    %rem3A_21 = arith.remsi %add3A, %select_n3A_20 : i32
    %ne3A_22 = arith.constant 0 : i32
    %ne3A_23 = arith.cmpi ne, %rem3A_21, %ne3A_22 : i32
    %lt3A = arith.constant 0 : i32
    %lt3A_24 = arith.cmpi slt, %rem3A_21, %lt3A : i32
    %lt3A_25 = arith.constant 0 : i32
    %lt3A_26 = arith.cmpi slt, %select_n3A_20, %lt3A_25 : i32
    %ne3A_27 = arith.xori %lt3A_24, %lt3A_26 : i1
    %and3A_28 = arith.andi %ne3A_27, %ne3A_23 : i1
    %add3A_29 = arith.addi %rem3A_21, %select_n3A_20 : i32
    %select_n3A_30 = arith.select %and3A_28, %add3A_29, %rem3A_21 : i32
    %mul3A_31 = arith.constant 1856 : i32
    %mul3A_32 = arith.muli %select_n3A_30, %mul3A_31 : i32
    %dma_start3A = arith.constant 0 : i32
    %dma_start3A_33 = arith.constant 0 : i32
    %dma_start3A_34 = tpu.memref_slice %arg2[%select_n3A, %dma_start3A, %dma_start3A_33] : memref<4x2x2048xi32, #tpu.memory_space<hbm>> -> memref<1x1x2048xi32, #tpu.memory_space<hbm>>
    %dma_start3A_35 = tpu.memref_squeeze %dma_start3A_34 : memref<1x1x2048xi32, #tpu.memory_space<hbm>> -> memref<2048xi32, #tpu.memory_space<hbm>>
    %dma_start3A_36 = arith.constant 0 : i32
    %dma_start3A_37 = tpu.memref_slice %arg2[%select_n3A, %dma_start3A, %dma_start3A_36] : memref<4x2x2048xi32, #tpu.memory_space<hbm>> -> memref<1x1x2048xi32, #tpu.memory_space<hbm>>
    %dma_start3A_38 = tpu.memref_squeeze %dma_start3A_37 : memref<1x1x2048xi32, #tpu.memory_space<hbm>> -> memref<2048xi32, #tpu.memory_space<hbm>>
    tpu.enqueue_dma source(%dma_start3A_38 : memref<2048xi32, #tpu.memory_space<hbm>>) target(%arg4 : memref<2048xi32, #tpu.memory_space<vmem>>) target_semaphore(%arg7 : memref<!tpu.dma_semaphore, #tpu.memory_space<semaphore_mem>>)
    %dma_start3A_39 = arith.constant 1 : i32
    %dma_start3A_40 = arith.constant 0 : i32
    %dma_start3A_41 = tpu.memref_slice %arg2[%select_n3A, %dma_start3A_39, %dma_start3A_40] : memref<4x2x2048xi32, #tpu.memory_space<hbm>> -> memref<1x1x2048xi32, #tpu.memory_space<hbm>>
    %dma_start3A_42 = tpu.memref_squeeze %dma_start3A_41 : memref<1x1x2048xi32, #tpu.memory_space<hbm>> -> memref<2048xi32, #tpu.memory_space<hbm>>
    %dma_start3A_43 = arith.constant 0 : i32
    %dma_start3A_44 = tpu.memref_slice %arg2[%select_n3A, %dma_start3A_39, %dma_start3A_43] : memref<4x2x2048xi32, #tpu.memory_space<hbm>> -> memref<1x1x2048xi32, #tpu.memory_space<hbm>>
    %dma_start3A_45 = tpu.memref_squeeze %dma_start3A_44 : memref<1x1x2048xi32, #tpu.memory_space<hbm>> -> memref<2048xi32, #tpu.memory_space<hbm>>
    tpu.enqueue_dma source(%dma_start3A_45 : memref<2048xi32, #tpu.memory_space<hbm>>) target(%arg5 : memref<2048xi32, #tpu.memory_space<vmem>>) target_semaphore(%arg8 : memref<!tpu.dma_semaphore, #tpu.memory_space<semaphore_mem>>)
    %broadcast_in_dim3A = arith.constant 0.000000e+00 : f32
    %broadcast_in_dim3A_46 = vector.broadcast %broadcast_in_dim3A : f32 to vector<16xf32>
    %scan3A = arith.constant 0 : i32
    %scan3A_47 = arith.constant 112 : i32
    %scan3A_48 = arith.addi %scan3A, %scan3A_47 : i32
    %scan3A_49 = arith.constant 8 : i32
    scf.for %scan3A_114 = %scan3A to %scan3A_48 step %scan3A_49  : i32 {
      %mul3A_115 = arith.constant 16 : i32
      %mul3A_116 = arith.muli %scan3A_114, %mul3A_115 : i32
      %add3A_117 = arith.constant 0 : i32
      %add3A_118 = arith.addi %add3A_117, %mul3A_116 : i32
      %swap3A_119 = arith.index_cast %add3A_118 : i32 to index
      %swap3A_120 = tpu.vector_load %arg6[%swap3A_119] {strides = array<i32>} : memref<1856xf32, #tpu.memory_space<vmem>>, vector<16xf32>,
      tpu.vector_store %arg6[%swap3A_119], %broadcast_in_dim3A_46 {strides = array<i32>} : memref<1856xf32, #tpu.memory_space<vmem>>, vector<16xf32>,
      %scan3A_121 = arith.constant 1 : i32
      %scan3A_122 = arith.addi %scan3A_114, %scan3A_121 : i32
      %mul3A_123 = arith.constant 16 : i32
      %mul3A_124 = arith.muli %scan3A_122, %mul3A_123 : i32
      %add3A_125 = arith.constant 0 : i32
      %add3A_126 = arith.addi %add3A_125, %mul3A_124 : i32
      %swap3A_127 = arith.index_cast %add3A_126 : i32 to index
      %swap3A_128 = tpu.vector_load %arg6[%swap3A_127] {strides = array<i32>} : memref<1856xf32, #tpu.memory_space<vmem>>, vector<16xf32>,
      tpu.vector_store %arg6[%swap3A_127], %broadcast_in_dim3A_46 {strides = array<i32>} : memref<1856xf32, #tpu.memory_space<vmem>>, vector<16xf32>,
      %scan3A_129 = arith.constant 2 : i32
      %scan3A_130 = arith.addi %scan3A_114, %scan3A_129 : i32
      %mul3A_131 = arith.constant 16 : i32
      %mul3A_132 = arith.muli %scan3A_130, %mul3A_131 : i32
      %add3A_133 = arith.constant 0 : i32
      %add3A_134 = arith.addi %add3A_133, %mul3A_132 : i32
      %swap3A_135 = arith.index_cast %add3A_134 : i32 to index
      %swap3A_136 = tpu.vector_load %arg6[%swap3A_135] {strides = array<i32>} : memref<1856xf32, #tpu.memory_space<vmem>>, vector<16xf32>,
      tpu.vector_store %arg6[%swap3A_135], %broadcast_in_dim3A_46 {strides = array<i32>} : memref<1856xf32, #tpu.memory_space<vmem>>, vector<16xf32>,
      %scan3A_137 = arith.constant 3 : i32
      %scan3A_138 = arith.addi %scan3A_114, %scan3A_137 : i32
      %mul3A_139 = arith.constant 16 : i32
      %mul3A_140 = arith.muli %scan3A_138, %mul3A_139 : i32
      %add3A_141 = arith.constant 0 : i32
      %add3A_142 = arith.addi %add3A_141, %mul3A_140 : i32
      %swap3A_143 = arith.index_cast %add3A_142 : i32 to index
      %swap3A_144 = tpu.vector_load %arg6[%swap3A_143] {strides = array<i32>} : memref<1856xf32, #tpu.memory_space<vmem>>, vector<16xf32>,
      tpu.vector_store %arg6[%swap3A_143], %broadcast_in_dim3A_46 {strides = array<i32>} : memref<1856xf32, #tpu.memory_space<vmem>>, vector<16xf32>,
      %scan3A_145 = arith.constant 4 : i32
      %scan3A_146 = arith.addi %scan3A_114, %scan3A_145 : i32
      %mul3A_147 = arith.constant 16 : i32
      %mul3A_148 = arith.muli %scan3A_146, %mul3A_147 : i32
      %add3A_149 = arith.constant 0 : i32
      %add3A_150 = arith.addi %add3A_149, %mul3A_148 : i32
      %swap3A_151 = arith.index_cast %add3A_150 : i32 to index
      %swap3A_152 = tpu.vector_load %arg6[%swap3A_151] {strides = array<i32>} : memref<1856xf32, #tpu.memory_space<vmem>>, vector<16xf32>,
      tpu.vector_store %arg6[%swap3A_151], %broadcast_in_dim3A_46 {strides = array<i32>} : memref<1856xf32, #tpu.memory_space<vmem>>, vector<16xf32>,
      %scan3A_153 = arith.constant 5 : i32
      %scan3A_154 = arith.addi %scan3A_114, %scan3A_153 : i32
      %mul3A_155 = arith.constant 16 : i32
      %mul3A_156 = arith.muli %scan3A_154, %mul3A_155 : i32
      %add3A_157 = arith.constant 0 : i32
      %add3A_158 = arith.addi %add3A_157, %mul3A_156 : i32
      %swap3A_159 = arith.index_cast %add3A_158 : i32 to index
      %swap3A_160 = tpu.vector_load %arg6[%swap3A_159] {strides = array<i32>} : memref<1856xf32, #tpu.memory_space<vmem>>, vector<16xf32>,
      tpu.vector_store %arg6[%swap3A_159], %broadcast_in_dim3A_46 {strides = array<i32>} : memref<1856xf32, #tpu.memory_space<vmem>>, vector<16xf32>,
      %scan3A_161 = arith.constant 6 : i32
      %scan3A_162 = arith.addi %scan3A_114, %scan3A_161 : i32
      %mul3A_163 = arith.constant 16 : i32
      %mul3A_164 = arith.muli %scan3A_162, %mul3A_163 : i32
      %add3A_165 = arith.constant 0 : i32
      %add3A_166 = arith.addi %add3A_165, %mul3A_164 : i32
      %swap3A_167 = arith.index_cast %add3A_166 : i32 to index
      %swap3A_168 = tpu.vector_load %arg6[%swap3A_167] {strides = array<i32>} : memref<1856xf32, #tpu.memory_space<vmem>>, vector<16xf32>,
      tpu.vector_store %arg6[%swap3A_167], %broadcast_in_dim3A_46 {strides = array<i32>} : memref<1856xf32, #tpu.memory_space<vmem>>, vector<16xf32>,
      %scan3A_169 = arith.constant 7 : i32
      %scan3A_170 = arith.addi %scan3A_114, %scan3A_169 : i32
      %mul3A_171 = arith.constant 16 : i32
      %mul3A_172 = arith.muli %scan3A_170, %mul3A_171 : i32
      %add3A_173 = arith.constant 0 : i32
      %add3A_174 = arith.addi %add3A_173, %mul3A_172 : i32
      %swap3A_175 = arith.index_cast %add3A_174 : i32 to index
      %swap3A_176 = tpu.vector_load %arg6[%swap3A_175] {strides = array<i32>} : memref<1856xf32, #tpu.memory_space<vmem>>, vector<16xf32>,
      tpu.vector_store %arg6[%swap3A_175], %broadcast_in_dim3A_46 {strides = array<i32>} : memref<1856xf32, #tpu.memory_space<vmem>>, vector<16xf32>,
    }
    %scan3A_50 = arith.constant 112 : i32
    %scan3A_51 = arith.addi %scan3A, %scan3A_50 : i32
    %mul3A_52 = arith.constant 16 : i32
    %mul3A_53 = arith.muli %scan3A_51, %mul3A_52 : i32
    %add3A_54 = arith.constant 0 : i32
    %add3A_55 = arith.addi %add3A_54, %mul3A_53 : i32
    %swap3A = arith.index_cast %add3A_55 : i32 to index
    %swap3A_56 = tpu.vector_load %arg6[%swap3A] {strides = array<i32>} : memref<1856xf32, #tpu.memory_space<vmem>>, vector<16xf32>,
    tpu.vector_store %arg6[%swap3A], %broadcast_in_dim3A_46 {strides = array<i32>} : memref<1856xf32, #tpu.memory_space<vmem>>, vector<16xf32>,
    %scan3A_57 = arith.constant 113 : i32
    %scan3A_58 = arith.addi %scan3A, %scan3A_57 : i32
    %mul3A_59 = arith.constant 16 : i32
    %mul3A_60 = arith.muli %scan3A_58, %mul3A_59 : i32
    %add3A_61 = arith.constant 0 : i32
    %add3A_62 = arith.addi %add3A_61, %mul3A_60 : i32
    %swap3A_63 = arith.index_cast %add3A_62 : i32 to index
    %swap3A_64 = tpu.vector_load %arg6[%swap3A_63] {strides = array<i32>} : memref<1856xf32, #tpu.memory_space<vmem>>, vector<16xf32>,
    tpu.vector_store %arg6[%swap3A_63], %broadcast_in_dim3A_46 {strides = array<i32>} : memref<1856xf32, #tpu.memory_space<vmem>>, vector<16xf32>,
    %scan3A_65 = arith.constant 114 : i32
    %scan3A_66 = arith.addi %scan3A, %scan3A_65 : i32
    %mul3A_67 = arith.constant 16 : i32
    %mul3A_68 = arith.muli %scan3A_66, %mul3A_67 : i32
    %add3A_69 = arith.constant 0 : i32
    %add3A_70 = arith.addi %add3A_69, %mul3A_68 : i32
    %swap3A_71 = arith.index_cast %add3A_70 : i32 to index
    %swap3A_72 = tpu.vector_load %arg6[%swap3A_71] {strides = array<i32>} : memref<1856xf32, #tpu.memory_space<vmem>>, vector<16xf32>,
    tpu.vector_store %arg6[%swap3A_71], %broadcast_in_dim3A_46 {strides = array<i32>} : memref<1856xf32, #tpu.memory_space<vmem>>, vector<16xf32>,
    %scan3A_73 = arith.constant 115 : i32
    %scan3A_74 = arith.addi %scan3A, %scan3A_73 : i32
    %mul3A_75 = arith.constant 16 : i32
    %mul3A_76 = arith.muli %scan3A_74, %mul3A_75 : i32
    %add3A_77 = arith.constant 0 : i32
    %add3A_78 = arith.addi %add3A_77, %mul3A_76 : i32
    %swap3A_79 = arith.index_cast %add3A_78 : i32 to index
    %swap3A_80 = tpu.vector_load %arg6[%swap3A_79] {strides = array<i32>} : memref<1856xf32, #tpu.memory_space<vmem>>, vector<16xf32>,
    tpu.vector_store %arg6[%swap3A_79], %broadcast_in_dim3A_46 {strides = array<i32>} : memref<1856xf32, #tpu.memory_space<vmem>>, vector<16xf32>,
    %scan3A_81 = arith.constant 116 : i32
    %dma_wait3A = arith.constant 0 : i32
    %dma_wait3A_82 = arith.constant 0 : i32
    %dma_wait3A_83 = tpu.memref_slice %arg2[%select_n3A, %dma_wait3A, %dma_wait3A_82] : memref<4x2x2048xi32, #tpu.memory_space<hbm>> -> memref<1x1x2048xi32, #tpu.memory_space<hbm>>
    %dma_wait3A_84 = tpu.memref_squeeze %dma_wait3A_83 : memref<1x1x2048xi32, #tpu.memory_space<hbm>> -> memref<2048xi32, #tpu.memory_space<hbm>>
    %dma_wait3A_85 = arith.constant 0 : i32
    %dma_wait3A_86 = tpu.memref_slice %arg2[%select_n3A, %dma_wait3A, %dma_wait3A_85] : memref<4x2x2048xi32, #tpu.memory_space<hbm>> -> memref<1x1x2048xi32, #tpu.memory_space<hbm>>
    %dma_wait3A_87 = tpu.memref_squeeze %dma_wait3A_86 : memref<1x1x2048xi32, #tpu.memory_space<hbm>> -> memref<2048xi32, #tpu.memory_space<hbm>>
    tpu.wait_dma2 semaphore(%arg7 : memref<!tpu.dma_semaphore, #tpu.memory_space<semaphore_mem>>) src(%dma_wait3A_87 : memref<2048xi32, #tpu.memory_space<hbm>>) dst(%arg4 : memref<2048xi32, #tpu.memory_space<vmem>>)
    %dma_wait3A_88 = arith.constant 1 : i32
    %dma_wait3A_89 = arith.constant 0 : i32
    %dma_wait3A_90 = tpu.memref_slice %arg2[%select_n3A, %dma_wait3A_88, %dma_wait3A_89] : memref<4x2x2048xi32, #tpu.memory_space<hbm>> -> memref<1x1x2048xi32, #tpu.memory_space<hbm>>
    %dma_wait3A_91 = tpu.memref_squeeze %dma_wait3A_90 : memref<1x1x2048xi32, #tpu.memory_space<hbm>> -> memref<2048xi32, #tpu.memory_space<hbm>>
    %dma_wait3A_92 = arith.constant 0 : i32
    %dma_wait3A_93 = tpu.memref_slice %arg2[%select_n3A, %dma_wait3A_88, %dma_wait3A_92] : memref<4x2x2048xi32, #tpu.memory_space<hbm>> -> memref<1x1x2048xi32, #tpu.memory_space<hbm>>
    %dma_wait3A_94 = tpu.memref_squeeze %dma_wait3A_93 : memref<1x1x2048xi32, #tpu.memory_space<hbm>> -> memref<2048xi32, #tpu.memory_space<hbm>>
    tpu.wait_dma2 semaphore(%arg8 : memref<!tpu.dma_semaphore, #tpu.memory_space<semaphore_mem>>) src(%dma_wait3A_94 : memref<2048xi32, #tpu.memory_space<hbm>>) dst(%arg5 : memref<2048xi32, #tpu.memory_space<vmem>>)
    %broadcast_in_dim3A_95 = arith.constant 1.000000e+00 : f32
    %broadcast_in_dim3A_96 = vector.broadcast %broadcast_in_dim3A_95 : f32 to vector<16xf32>
    %scan3A_97 = arith.constant 0 : i32
    %scan3A_98 = arith.constant 128 : i32
    %scan3A_99 = arith.addi %scan3A_97, %scan3A_98 : i32
    %scan3A_100 = arith.constant 4 : i32
    scf.for %scan3A_114 = %scan3A_97 to %scan3A_99 step %scan3A_100  : i32 {
      %mul3A_115 = arith.constant 16 : i32
      %mul3A_116 = arith.muli %scan3A_114, %mul3A_115 : i32
      %add3A_117 = arith.constant 0 : i32
      %add3A_118 = arith.addi %add3A_117, %mul3A_116 : i32
      %get3A = arith.index_cast %add3A_118 : i32 to index
      %get3A_119 = tpu.vector_load %arg4[%get3A] {strides = array<i32>} : memref<2048xi32, #tpu.memory_space<vmem>>, vector<16xi32>,
      %get3A_120 = arith.index_cast %add3A_118 : i32 to index
      %get3A_121 = tpu.vector_load %arg5[%get3A_120] {strides = array<i32>} : memref<2048xi32, #tpu.memory_space<vmem>>, vector<16xi32>,
      %mul3A_122 = arith.constant 128 : i32
      %mul3A_123 = vector.broadcast %mul3A_122 : i32 to vector<16xi32>
      %mul3A_124 = arith.muli %get3A_121, %mul3A_123 : vector<16xi32>
      %add3A_125 = arith.addi %mul3A_124, %get3A_119 : vector<16xi32>
      %sub3A_126 = vector.broadcast %mul3A_32 : i32 to vector<16xi32>
      %sub3A_127 = arith.subi %add3A_125, %sub3A_126 : vector<16xi32>
      %bitcast3A = vector.bitcast %sub3A_127 : vector<16xi32> to vector<16xi32>
      %lt3A_128 = arith.constant 1856 : i32
      %lt3A_129 = vector.broadcast %lt3A_128 : i32 to vector<16xi32>
      %lt3A_130 = arith.cmpi ult, %bitcast3A, %lt3A_129 : vector<16xi32>
      tpu.vector_store_idx %arg6[%sub3A_127], %broadcast_in_dim3A_96 masked %lt3A_130 {add = true} : memref<1856xf32, #tpu.memory_space<vmem>>[vector<16xi32>], vector<16xf32>, vector<16xi1>
      %scan3A_131 = arith.constant 1 : i32
      %scan3A_132 = arith.addi %scan3A_114, %scan3A_131 : i32
      %mul3A_133 = arith.constant 16 : i32
      %mul3A_134 = arith.muli %scan3A_132, %mul3A_133 : i32
      %add3A_135 = arith.constant 0 : i32
      %add3A_136 = arith.addi %add3A_135, %mul3A_134 : i32
      %get3A_137 = arith.index_cast %add3A_136 : i32 to index
      %get3A_138 = tpu.vector_load %arg4[%get3A_137] {strides = array<i32>} : memref<2048xi32, #tpu.memory_space<vmem>>, vector<16xi32>,
      %get3A_139 = arith.index_cast %add3A_136 : i32 to index
      %get3A_140 = tpu.vector_load %arg5[%get3A_139] {strides = array<i32>} : memref<2048xi32, #tpu.memory_space<vmem>>, vector<16xi32>,
      %mul3A_141 = arith.constant 128 : i32
      %mul3A_142 = vector.broadcast %mul3A_141 : i32 to vector<16xi32>
      %mul3A_143 = arith.muli %get3A_140, %mul3A_142 : vector<16xi32>
      %add3A_144 = arith.addi %mul3A_143, %get3A_138 : vector<16xi32>
      %sub3A_145 = vector.broadcast %mul3A_32 : i32 to vector<16xi32>
      %sub3A_146 = arith.subi %add3A_144, %sub3A_145 : vector<16xi32>
      %bitcast3A_147 = vector.bitcast %sub3A_146 : vector<16xi32> to vector<16xi32>
      %lt3A_148 = arith.constant 1856 : i32
      %lt3A_149 = vector.broadcast %lt3A_148 : i32 to vector<16xi32>
      %lt3A_150 = arith.cmpi ult, %bitcast3A_147, %lt3A_149 : vector<16xi32>
      tpu.vector_store_idx %arg6[%sub3A_146], %broadcast_in_dim3A_96 masked %lt3A_150 {add = true} : memref<1856xf32, #tpu.memory_space<vmem>>[vector<16xi32>], vector<16xf32>, vector<16xi1>
      %scan3A_151 = arith.constant 2 : i32
      %scan3A_152 = arith.addi %scan3A_114, %scan3A_151 : i32
      %mul3A_153 = arith.constant 16 : i32
      %mul3A_154 = arith.muli %scan3A_152, %mul3A_153 : i32
      %add3A_155 = arith.constant 0 : i32
      %add3A_156 = arith.addi %add3A_155, %mul3A_154 : i32
      %get3A_157 = arith.index_cast %add3A_156 : i32 to index
      %get3A_158 = tpu.vector_load %arg4[%get3A_157] {strides = array<i32>} : memref<2048xi32, #tpu.memory_space<vmem>>, vector<16xi32>,
      %get3A_159 = arith.index_cast %add3A_156 : i32 to index
      %get3A_160 = tpu.vector_load %arg5[%get3A_159] {strides = array<i32>} : memref<2048xi32, #tpu.memory_space<vmem>>, vector<16xi32>,
      %mul3A_161 = arith.constant 128 : i32
      %mul3A_162 = vector.broadcast %mul3A_161 : i32 to vector<16xi32>
      %mul3A_163 = arith.muli %get3A_160, %mul3A_162 : vector<16xi32>
      %add3A_164 = arith.addi %mul3A_163, %get3A_158 : vector<16xi32>
      %sub3A_165 = vector.broadcast %mul3A_32 : i32 to vector<16xi32>
      %sub3A_166 = arith.subi %add3A_164, %sub3A_165 : vector<16xi32>
      %bitcast3A_167 = vector.bitcast %sub3A_166 : vector<16xi32> to vector<16xi32>
      %lt3A_168 = arith.constant 1856 : i32
      %lt3A_169 = vector.broadcast %lt3A_168 : i32 to vector<16xi32>
      %lt3A_170 = arith.cmpi ult, %bitcast3A_167, %lt3A_169 : vector<16xi32>
      tpu.vector_store_idx %arg6[%sub3A_166], %broadcast_in_dim3A_96 masked %lt3A_170 {add = true} : memref<1856xf32, #tpu.memory_space<vmem>>[vector<16xi32>], vector<16xf32>, vector<16xi1>
      %scan3A_171 = arith.constant 3 : i32
      %scan3A_172 = arith.addi %scan3A_114, %scan3A_171 : i32
      %mul3A_173 = arith.constant 16 : i32
      %mul3A_174 = arith.muli %scan3A_172, %mul3A_173 : i32
      %add3A_175 = arith.constant 0 : i32
      %add3A_176 = arith.addi %add3A_175, %mul3A_174 : i32
      %get3A_177 = arith.index_cast %add3A_176 : i32 to index
      %get3A_178 = tpu.vector_load %arg4[%get3A_177] {strides = array<i32>} : memref<2048xi32, #tpu.memory_space<vmem>>, vector<16xi32>,
      %get3A_179 = arith.index_cast %add3A_176 : i32 to index
      %get3A_180 = tpu.vector_load %arg5[%get3A_179] {strides = array<i32>} : memref<2048xi32, #tpu.memory_space<vmem>>, vector<16xi32>,
      %mul3A_181 = arith.constant 128 : i32
      %mul3A_182 = vector.broadcast %mul3A_181 : i32 to vector<16xi32>
      %mul3A_183 = arith.muli %get3A_180, %mul3A_182 : vector<16xi32>
      %add3A_184 = arith.addi %mul3A_183, %get3A_178 : vector<16xi32>
      %sub3A_185 = vector.broadcast %mul3A_32 : i32 to vector<16xi32>
      %sub3A_186 = arith.subi %add3A_184, %sub3A_185 : vector<16xi32>
      %bitcast3A_187 = vector.bitcast %sub3A_186 : vector<16xi32> to vector<16xi32>
      %lt3A_188 = arith.constant 1856 : i32
      %lt3A_189 = vector.broadcast %lt3A_188 : i32 to vector<16xi32>
      %lt3A_190 = arith.cmpi ult, %bitcast3A_187, %lt3A_189 : vector<16xi32>
      tpu.vector_store_idx %arg6[%sub3A_186], %broadcast_in_dim3A_96 masked %lt3A_190 {add = true} : memref<1856xf32, #tpu.memory_space<vmem>>[vector<16xi32>], vector<16xf32>, vector<16xi1>
    }
    %scan3A_101 = arith.constant 128 : i32
    %dma_start3A_102 = arith.constant 0 : i32
    %dma_start3A_103 = tpu.memref_slice %arg3[%add3A, %dma_start3A_102] : memref<32x1856xf32, #tpu.memory_space<hbm>> -> memref<1x1856xf32, #tpu.memory_space<hbm>>
    %dma_start3A_104 = tpu.memref_squeeze %dma_start3A_103 : memref<1x1856xf32, #tpu.memory_space<hbm>> -> memref<1856xf32, #tpu.memory_space<hbm>>
    %dma_start3A_105 = arith.constant 0 : i32
    %dma_start3A_106 = tpu.memref_slice %arg3[%add3A, %dma_start3A_105] : memref<32x1856xf32, #tpu.memory_space<hbm>> -> memref<1x1856xf32, #tpu.memory_space<hbm>>
    %dma_start3A_107 = tpu.memref_squeeze %dma_start3A_106 : memref<1x1856xf32, #tpu.memory_space<hbm>> -> memref<1856xf32, #tpu.memory_space<hbm>>
    tpu.enqueue_dma source(%arg6 : memref<1856xf32, #tpu.memory_space<vmem>>) target(%dma_start3A_107 : memref<1856xf32, #tpu.memory_space<hbm>>) target_semaphore(%arg7 : memref<!tpu.dma_semaphore, #tpu.memory_space<semaphore_mem>>)
    %dma_wait3A_108 = arith.constant 0 : i32
    %dma_wait3A_109 = tpu.memref_slice %arg3[%add3A, %dma_wait3A_108] : memref<32x1856xf32, #tpu.memory_space<hbm>> -> memref<1x1856xf32, #tpu.memory_space<hbm>>
    %dma_wait3A_110 = tpu.memref_squeeze %dma_wait3A_109 : memref<1x1856xf32, #tpu.memory_space<hbm>> -> memref<1856xf32, #tpu.memory_space<hbm>>
    %dma_wait3A_111 = arith.constant 0 : i32
    %dma_wait3A_112 = tpu.memref_slice %arg3[%add3A, %dma_wait3A_111] : memref<32x1856xf32, #tpu.memory_space<hbm>> -> memref<1x1856xf32, #tpu.memory_space<hbm>>
    %dma_wait3A_113 = tpu.memref_squeeze %dma_wait3A_112 : memref<1x1856xf32, #tpu.memory_space<hbm>> -> memref<1856xf32, #tpu.memory_space<hbm>>
    tpu.wait_dma2 semaphore(%arg7 : memref<!tpu.dma_semaphore, #tpu.memory_space<semaphore_mem>>) src(%arg6 : memref<1856xf32, #tpu.memory_space<vmem>>) dst(%dma_wait3A_113 : memref<1856xf32, #tpu.memory_space<hbm>>)
    return
  }
}

module attributes {stable_mosaic.version = 14 : i64} {
  func.func @_tc_body(%arg0: memref<4x116x128xf32, #tpu.memory_space<vmem>>, %arg1: memref<4x116x768xf32, #tpu.memory_space<vmem>>, %arg2: memref<4x116x1xf32, #tpu.memory_space<vmem>>, %arg3: memref<64x1xf32, #tpu.memory_space<vmem>>, %arg4: memref<64x16xf32, #tpu.memory_space<vmem>>, %arg5: memref<64x1xf32, #tpu.memory_space<vmem>>, %arg6: memref<16x1xf32, #tpu.memory_space<vmem>>, %arg7: memref<784x1xf32, #tpu.memory_space<vmem>>, %arg8: memref<784x784xf32, #tpu.memory_space<vmem>>, %arg9: memref<1x784xf32, #tpu.memory_space<vmem>>, %arg10: memref<64x784xf32, #tpu.memory_space<vmem>>, %arg11: memref<64x16xf32, #tpu.memory_space<vmem>>, %arg12: memref<64x1xf32, #tpu.memory_space<vmem>>, %arg13: memref<16x16xf32, #tpu.memory_space<vmem>>, %arg14: memref<16x32xf32, #tpu.memory_space<vmem>>, %arg15: memref<2x16xf32, #tpu.memory_space<vmem>>, %arg16: memref<2x1xf32, #tpu.memory_space<vmem>>, %arg17: memref<116x2xf32, #tpu.memory_space<vmem>>) attributes {dimension_semantics = [], scalar_prefetch = 0 : i64, scratch_operands = 0 : i64, tpu.core_type = #tpu.core_type<tc>} {
    %broadcast_in_dim3A = arith.constant 0.000000e+00 : f32
    %broadcast_in_dim3A_0 = vector.broadcast %broadcast_in_dim3A : f32 to vector<16x116xf32>
    %broadcast_in_dim3A_1 = arith.constant 0.000000e+00 : f32
    %broadcast_in_dim3A_2 = vector.broadcast %broadcast_in_dim3A_1 : f32 to vector<16x116xf32>
    %get3A = arith.constant 0 : index
    %get3A_3 = arith.constant 0 : index
    %get3A_4 = vector.load %arg3[%get3A, %get3A_3] : memref<64x1xf32, #tpu.memory_space<vmem>>, vector<64x1xf32>
    %get3A_5 = arith.constant 0 : index
    %get3A_6 = arith.constant 0 : index
    %get3A_7 = arith.constant 0 : index
    %get3A_8 = vector.load %arg2[%get3A_5, %get3A_6, %get3A_7] : memref<4x116x1xf32, #tpu.memory_space<vmem>>, vector<1x116x1xf32>
    %get3A_9 = vector.shape_cast %get3A_8 : vector<1x116x1xf32> to vector<116x1xf32>
    %dot_general3A = arith.constant dense<0.000000e+00> : vector<64x116xf32>
    %dot_general3A_10 = tpu.matmul %get3A_4, %get3A_9, %dot_general3A {dimension_numbers = #tpu.dot_dimension_numbers<[1], [1], [0], [0], [0, 0, 1, 0], [], []>, transpose_lhs_hint = false} : vector<64x1xf32>, vector<116x1xf32>, vector<64x116xf32> -> vector<64x116xf32>
    %get3A_11 = arith.constant 0 : index
    %get3A_12 = arith.constant 0 : index
    %get3A_13 = vector.load %arg4[%get3A_11, %get3A_12] : memref<64x16xf32, #tpu.memory_space<vmem>>, vector<64x16xf32>
    %dot_general3A_14 = arith.constant dense<0.000000e+00> : vector<64x116xf32>
    %dot_general3A_15 = tpu.matmul %get3A_13, %broadcast_in_dim3A_0, %dot_general3A_14 {dimension_numbers = #tpu.dot_dimension_numbers<[1], [0], [0], [1], [0, 0, 1, 1], [], []>, transpose_lhs_hint = false} : vector<64x16xf32>, vector<16x116xf32>, vector<64x116xf32> -> vector<64x116xf32>
    %add3A = arith.addf %dot_general3A_10, %dot_general3A_15 : vector<64x116xf32>
    %get3A_16 = arith.constant 0 : index
    %get3A_17 = arith.constant 0 : index
    %get3A_18 = vector.load %arg5[%get3A_16, %get3A_17] : memref<64x1xf32, #tpu.memory_space<vmem>>, vector<64x1xf32>
    %add3A_19 = vector.broadcast %get3A_18 : vector<64x1xf32> to vector<64x116xf32>
    %add3A_20 = arith.addf %add3A, %add3A_19 : vector<64x116xf32>
    %slice3A = vector.extract_strided_slice %add3A_20 {offsets = [0, 0], sizes = [16, 116], strides = [1, 1]} : vector<64x116xf32> to vector<16x116xf32>
    %logistic3A = arith.negf %slice3A : vector<16x116xf32>
    %logistic3A_21 = math.exp %logistic3A : vector<16x116xf32>
    %logistic3A_22 = arith.constant 1.000000e+00 : f32
    %logistic3A_23 = vector.broadcast %logistic3A_22 : f32 to vector<16x116xf32>
    %logistic3A_24 = arith.addf %logistic3A_23, %logistic3A_21 : vector<16x116xf32>
    %logistic3A_25 = arith.divf %logistic3A_23, %logistic3A_24 : vector<16x116xf32>
    %slice3A_26 = vector.extract_strided_slice %add3A_20 {offsets = [16, 0], sizes = [16, 116], strides = [1, 1]} : vector<64x116xf32> to vector<16x116xf32>
    %logistic3A_27 = arith.negf %slice3A_26 : vector<16x116xf32>
    %logistic3A_28 = math.exp %logistic3A_27 : vector<16x116xf32>
    %logistic3A_29 = arith.constant 1.000000e+00 : f32
    %logistic3A_30 = vector.broadcast %logistic3A_29 : f32 to vector<16x116xf32>
    %logistic3A_31 = arith.addf %logistic3A_30, %logistic3A_28 : vector<16x116xf32>
    %logistic3A_32 = arith.divf %logistic3A_30, %logistic3A_31 : vector<16x116xf32>
    %slice3A_33 = vector.extract_strided_slice %add3A_20 {offsets = [32, 0], sizes = [16, 116], strides = [1, 1]} : vector<64x116xf32> to vector<16x116xf32>
    %tanh3A = math.tanh %slice3A_33 : vector<16x116xf32>
    %slice3A_34 = vector.extract_strided_slice %add3A_20 {offsets = [48, 0], sizes = [16, 116], strides = [1, 1]} : vector<64x116xf32> to vector<16x116xf32>
    %logistic3A_35 = arith.negf %slice3A_34 : vector<16x116xf32>
    %logistic3A_36 = math.exp %logistic3A_35 : vector<16x116xf32>
    %logistic3A_37 = arith.constant 1.000000e+00 : f32
    %logistic3A_38 = vector.broadcast %logistic3A_37 : f32 to vector<16x116xf32>
    %logistic3A_39 = arith.addf %logistic3A_38, %logistic3A_36 : vector<16x116xf32>
    %logistic3A_40 = arith.divf %logistic3A_38, %logistic3A_39 : vector<16x116xf32>
    %mul3A = arith.mulf %logistic3A_32, %broadcast_in_dim3A_2 : vector<16x116xf32>
    %mul3A_41 = arith.mulf %logistic3A_25, %tanh3A : vector<16x116xf32>
    %add3A_42 = arith.addf %mul3A, %mul3A_41 : vector<16x116xf32>
    %tanh3A_43 = math.tanh %add3A_42 : vector<16x116xf32>
    %mul3A_44 = arith.mulf %logistic3A_40, %tanh3A_43 : vector<16x116xf32>
    %get3A_45 = arith.constant 0 : index
    %get3A_46 = arith.constant 0 : index
    %get3A_47 = vector.load %arg6[%get3A_45, %get3A_46] : memref<16x1xf32, #tpu.memory_space<vmem>>, vector<16x1xf32>
    %dot_general3A_48 = arith.constant dense<0.000000e+00> : vector<116x1xf32>
    %dot_general3A_49 = tpu.matmul %mul3A_44, %get3A_47, %dot_general3A_48 {dimension_numbers = #tpu.dot_dimension_numbers<[0], [0], [1], [1], [0, 1, 1, 1], [], []>, transpose_lhs_hint = false} : vector<16x116xf32>, vector<16x1xf32>, vector<116x1xf32> -> vector<116x1xf32>
    %get3A_50 = arith.constant 0 : index
    %get3A_51 = arith.constant 0 : index
    %get3A_52 = vector.load %arg3[%get3A_50, %get3A_51] : memref<64x1xf32, #tpu.memory_space<vmem>>, vector<64x1xf32>
    %get3A_53 = arith.constant 1 : index
    %get3A_54 = arith.constant 0 : index
    %get3A_55 = arith.constant 0 : index
    %get3A_56 = vector.load %arg2[%get3A_53, %get3A_54, %get3A_55] : memref<4x116x1xf32, #tpu.memory_space<vmem>>, vector<1x116x1xf32>
    %get3A_57 = vector.shape_cast %get3A_56 : vector<1x116x1xf32> to vector<116x1xf32>
    %dot_general3A_58 = arith.constant dense<0.000000e+00> : vector<64x116xf32>
    %dot_general3A_59 = tpu.matmul %get3A_52, %get3A_57, %dot_general3A_58 {dimension_numbers = #tpu.dot_dimension_numbers<[1], [1], [0], [0], [0, 0, 1, 0], [], []>, transpose_lhs_hint = false} : vector<64x1xf32>, vector<116x1xf32>, vector<64x116xf32> -> vector<64x116xf32>
    %get3A_60 = arith.constant 0 : index
    %get3A_61 = arith.constant 0 : index
    %get3A_62 = vector.load %arg4[%get3A_60, %get3A_61] : memref<64x16xf32, #tpu.memory_space<vmem>>, vector<64x16xf32>
    %dot_general3A_63 = arith.constant dense<0.000000e+00> : vector<64x116xf32>
    %dot_general3A_64 = tpu.matmul %get3A_62, %mul3A_44, %dot_general3A_63 {dimension_numbers = #tpu.dot_dimension_numbers<[1], [0], [0], [1], [0, 0, 1, 1], [], []>, transpose_lhs_hint = false} : vector<64x16xf32>, vector<16x116xf32>, vector<64x116xf32> -> vector<64x116xf32>
    %add3A_65 = arith.addf %dot_general3A_59, %dot_general3A_64 : vector<64x116xf32>
    %get3A_66 = arith.constant 0 : index
    %get3A_67 = arith.constant 0 : index
    %get3A_68 = vector.load %arg5[%get3A_66, %get3A_67] : memref<64x1xf32, #tpu.memory_space<vmem>>, vector<64x1xf32>
    %add3A_69 = vector.broadcast %get3A_68 : vector<64x1xf32> to vector<64x116xf32>
    %add3A_70 = arith.addf %add3A_65, %add3A_69 : vector<64x116xf32>
    %slice3A_71 = vector.extract_strided_slice %add3A_70 {offsets = [0, 0], sizes = [16, 116], strides = [1, 1]} : vector<64x116xf32> to vector<16x116xf32>
    %logistic3A_72 = arith.negf %slice3A_71 : vector<16x116xf32>
    %logistic3A_73 = math.exp %logistic3A_72 : vector<16x116xf32>
    %logistic3A_74 = arith.constant 1.000000e+00 : f32
    %logistic3A_75 = vector.broadcast %logistic3A_74 : f32 to vector<16x116xf32>
    %logistic3A_76 = arith.addf %logistic3A_75, %logistic3A_73 : vector<16x116xf32>
    %logistic3A_77 = arith.divf %logistic3A_75, %logistic3A_76 : vector<16x116xf32>
    %slice3A_78 = vector.extract_strided_slice %add3A_70 {offsets = [16, 0], sizes = [16, 116], strides = [1, 1]} : vector<64x116xf32> to vector<16x116xf32>
    %logistic3A_79 = arith.negf %slice3A_78 : vector<16x116xf32>
    %logistic3A_80 = math.exp %logistic3A_79 : vector<16x116xf32>
    %logistic3A_81 = arith.constant 1.000000e+00 : f32
    %logistic3A_82 = vector.broadcast %logistic3A_81 : f32 to vector<16x116xf32>
    %logistic3A_83 = arith.addf %logistic3A_82, %logistic3A_80 : vector<16x116xf32>
    %logistic3A_84 = arith.divf %logistic3A_82, %logistic3A_83 : vector<16x116xf32>
    %slice3A_85 = vector.extract_strided_slice %add3A_70 {offsets = [32, 0], sizes = [16, 116], strides = [1, 1]} : vector<64x116xf32> to vector<16x116xf32>
    %tanh3A_86 = math.tanh %slice3A_85 : vector<16x116xf32>
    %slice3A_87 = vector.extract_strided_slice %add3A_70 {offsets = [48, 0], sizes = [16, 116], strides = [1, 1]} : vector<64x116xf32> to vector<16x116xf32>
    %logistic3A_88 = arith.negf %slice3A_87 : vector<16x116xf32>
    %logistic3A_89 = math.exp %logistic3A_88 : vector<16x116xf32>
    %logistic3A_90 = arith.constant 1.000000e+00 : f32
    %logistic3A_91 = vector.broadcast %logistic3A_90 : f32 to vector<16x116xf32>
    %logistic3A_92 = arith.addf %logistic3A_91, %logistic3A_89 : vector<16x116xf32>
    %logistic3A_93 = arith.divf %logistic3A_91, %logistic3A_92 : vector<16x116xf32>
    %mul3A_94 = arith.mulf %logistic3A_84, %add3A_42 : vector<16x116xf32>
    %mul3A_95 = arith.mulf %logistic3A_77, %tanh3A_86 : vector<16x116xf32>
    %add3A_96 = arith.addf %mul3A_94, %mul3A_95 : vector<16x116xf32>
    %tanh3A_97 = math.tanh %add3A_96 : vector<16x116xf32>
    %mul3A_98 = arith.mulf %logistic3A_93, %tanh3A_97 : vector<16x116xf32>
    %get3A_99 = arith.constant 0 : index
    %get3A_100 = arith.constant 0 : index
    %get3A_101 = vector.load %arg6[%get3A_99, %get3A_100] : memref<16x1xf32, #tpu.memory_space<vmem>>, vector<16x1xf32>
    %dot_general3A_102 = arith.constant dense<0.000000e+00> : vector<116x1xf32>
    %dot_general3A_103 = tpu.matmul %mul3A_98, %get3A_101, %dot_general3A_102 {dimension_numbers = #tpu.dot_dimension_numbers<[0], [0], [1], [1], [0, 1, 1, 1], [], []>, transpose_lhs_hint = false} : vector<16x116xf32>, vector<16x1xf32>, vector<116x1xf32> -> vector<116x1xf32>
    %get3A_104 = arith.constant 0 : index
    %get3A_105 = arith.constant 0 : index
    %get3A_106 = vector.load %arg3[%get3A_104, %get3A_105] : memref<64x1xf32, #tpu.memory_space<vmem>>, vector<64x1xf32>
    %get3A_107 = arith.constant 2 : index
    %get3A_108 = arith.constant 0 : index
    %get3A_109 = arith.constant 0 : index
    %get3A_110 = vector.load %arg2[%get3A_107, %get3A_108, %get3A_109] : memref<4x116x1xf32, #tpu.memory_space<vmem>>, vector<1x116x1xf32>
    %get3A_111 = vector.shape_cast %get3A_110 : vector<1x116x1xf32> to vector<116x1xf32>
    %dot_general3A_112 = arith.constant dense<0.000000e+00> : vector<64x116xf32>
    %dot_general3A_113 = tpu.matmul %get3A_106, %get3A_111, %dot_general3A_112 {dimension_numbers = #tpu.dot_dimension_numbers<[1], [1], [0], [0], [0, 0, 1, 0], [], []>, transpose_lhs_hint = false} : vector<64x1xf32>, vector<116x1xf32>, vector<64x116xf32> -> vector<64x116xf32>
    %get3A_114 = arith.constant 0 : index
    %get3A_115 = arith.constant 0 : index
    %get3A_116 = vector.load %arg4[%get3A_114, %get3A_115] : memref<64x16xf32, #tpu.memory_space<vmem>>, vector<64x16xf32>
    %dot_general3A_117 = arith.constant dense<0.000000e+00> : vector<64x116xf32>
    %dot_general3A_118 = tpu.matmul %get3A_116, %mul3A_98, %dot_general3A_117 {dimension_numbers = #tpu.dot_dimension_numbers<[1], [0], [0], [1], [0, 0, 1, 1], [], []>, transpose_lhs_hint = false} : vector<64x16xf32>, vector<16x116xf32>, vector<64x116xf32> -> vector<64x116xf32>
    %add3A_119 = arith.addf %dot_general3A_113, %dot_general3A_118 : vector<64x116xf32>
    %get3A_120 = arith.constant 0 : index
    %get3A_121 = arith.constant 0 : index
    %get3A_122 = vector.load %arg5[%get3A_120, %get3A_121] : memref<64x1xf32, #tpu.memory_space<vmem>>, vector<64x1xf32>
    %add3A_123 = vector.broadcast %get3A_122 : vector<64x1xf32> to vector<64x116xf32>
    %add3A_124 = arith.addf %add3A_119, %add3A_123 : vector<64x116xf32>
    %slice3A_125 = vector.extract_strided_slice %add3A_124 {offsets = [0, 0], sizes = [16, 116], strides = [1, 1]} : vector<64x116xf32> to vector<16x116xf32>
    %logistic3A_126 = arith.negf %slice3A_125 : vector<16x116xf32>
    %logistic3A_127 = math.exp %logistic3A_126 : vector<16x116xf32>
    %logistic3A_128 = arith.constant 1.000000e+00 : f32
    %logistic3A_129 = vector.broadcast %logistic3A_128 : f32 to vector<16x116xf32>
    %logistic3A_130 = arith.addf %logistic3A_129, %logistic3A_127 : vector<16x116xf32>
    %logistic3A_131 = arith.divf %logistic3A_129, %logistic3A_130 : vector<16x116xf32>
    %slice3A_132 = vector.extract_strided_slice %add3A_124 {offsets = [16, 0], sizes = [16, 116], strides = [1, 1]} : vector<64x116xf32> to vector<16x116xf32>
    %logistic3A_133 = arith.negf %slice3A_132 : vector<16x116xf32>
    %logistic3A_134 = math.exp %logistic3A_133 : vector<16x116xf32>
    %logistic3A_135 = arith.constant 1.000000e+00 : f32
    %logistic3A_136 = vector.broadcast %logistic3A_135 : f32 to vector<16x116xf32>
    %logistic3A_137 = arith.addf %logistic3A_136, %logistic3A_134 : vector<16x116xf32>
    %logistic3A_138 = arith.divf %logistic3A_136, %logistic3A_137 : vector<16x116xf32>
    %slice3A_139 = vector.extract_strided_slice %add3A_124 {offsets = [32, 0], sizes = [16, 116], strides = [1, 1]} : vector<64x116xf32> to vector<16x116xf32>
    %tanh3A_140 = math.tanh %slice3A_139 : vector<16x116xf32>
    %slice3A_141 = vector.extract_strided_slice %add3A_124 {offsets = [48, 0], sizes = [16, 116], strides = [1, 1]} : vector<64x116xf32> to vector<16x116xf32>
    %logistic3A_142 = arith.negf %slice3A_141 : vector<16x116xf32>
    %logistic3A_143 = math.exp %logistic3A_142 : vector<16x116xf32>
    %logistic3A_144 = arith.constant 1.000000e+00 : f32
    %logistic3A_145 = vector.broadcast %logistic3A_144 : f32 to vector<16x116xf32>
    %logistic3A_146 = arith.addf %logistic3A_145, %logistic3A_143 : vector<16x116xf32>
    %logistic3A_147 = arith.divf %logistic3A_145, %logistic3A_146 : vector<16x116xf32>
    %mul3A_148 = arith.mulf %logistic3A_138, %add3A_96 : vector<16x116xf32>
    %mul3A_149 = arith.mulf %logistic3A_131, %tanh3A_140 : vector<16x116xf32>
    %add3A_150 = arith.addf %mul3A_148, %mul3A_149 : vector<16x116xf32>
    %tanh3A_151 = math.tanh %add3A_150 : vector<16x116xf32>
    %mul3A_152 = arith.mulf %logistic3A_147, %tanh3A_151 : vector<16x116xf32>
    %get3A_153 = arith.constant 0 : index
    %get3A_154 = arith.constant 0 : index
    %get3A_155 = vector.load %arg6[%get3A_153, %get3A_154] : memref<16x1xf32, #tpu.memory_space<vmem>>, vector<16x1xf32>
    %dot_general3A_156 = arith.constant dense<0.000000e+00> : vector<116x1xf32>
    %dot_general3A_157 = tpu.matmul %mul3A_152, %get3A_155, %dot_general3A_156 {dimension_numbers = #tpu.dot_dimension_numbers<[0], [0], [1], [1], [0, 1, 1, 1], [], []>, transpose_lhs_hint = false} : vector<16x116xf32>, vector<16x1xf32>, vector<116x1xf32> -> vector<116x1xf32>
    %get3A_158 = arith.constant 0 : index
    %get3A_159 = arith.constant 0 : index
    %get3A_160 = vector.load %arg3[%get3A_158, %get3A_159] : memref<64x1xf32, #tpu.memory_space<vmem>>, vector<64x1xf32>
    %get3A_161 = arith.constant 3 : index
    %get3A_162 = arith.constant 0 : index
    %get3A_163 = arith.constant 0 : index
    %get3A_164 = vector.load %arg2[%get3A_161, %get3A_162, %get3A_163] : memref<4x116x1xf32, #tpu.memory_space<vmem>>, vector<1x116x1xf32>
    %get3A_165 = vector.shape_cast %get3A_164 : vector<1x116x1xf32> to vector<116x1xf32>
    %dot_general3A_166 = arith.constant dense<0.000000e+00> : vector<64x116xf32>
    %dot_general3A_167 = tpu.matmul %get3A_160, %get3A_165, %dot_general3A_166 {dimension_numbers = #tpu.dot_dimension_numbers<[1], [1], [0], [0], [0, 0, 1, 0], [], []>, transpose_lhs_hint = false} : vector<64x1xf32>, vector<116x1xf32>, vector<64x116xf32> -> vector<64x116xf32>
    %get3A_168 = arith.constant 0 : index
    %get3A_169 = arith.constant 0 : index
    %get3A_170 = vector.load %arg4[%get3A_168, %get3A_169] : memref<64x16xf32, #tpu.memory_space<vmem>>, vector<64x16xf32>
    %dot_general3A_171 = arith.constant dense<0.000000e+00> : vector<64x116xf32>
    %dot_general3A_172 = tpu.matmul %get3A_170, %mul3A_152, %dot_general3A_171 {dimension_numbers = #tpu.dot_dimension_numbers<[1], [0], [0], [1], [0, 0, 1, 1], [], []>, transpose_lhs_hint = false} : vector<64x16xf32>, vector<16x116xf32>, vector<64x116xf32> -> vector<64x116xf32>
    %add3A_173 = arith.addf %dot_general3A_167, %dot_general3A_172 : vector<64x116xf32>
    %get3A_174 = arith.constant 0 : index
    %get3A_175 = arith.constant 0 : index
    %get3A_176 = vector.load %arg5[%get3A_174, %get3A_175] : memref<64x1xf32, #tpu.memory_space<vmem>>, vector<64x1xf32>
    %add3A_177 = vector.broadcast %get3A_176 : vector<64x1xf32> to vector<64x116xf32>
    %add3A_178 = arith.addf %add3A_173, %add3A_177 : vector<64x116xf32>
    %slice3A_179 = vector.extract_strided_slice %add3A_178 {offsets = [0, 0], sizes = [16, 116], strides = [1, 1]} : vector<64x116xf32> to vector<16x116xf32>
    %logistic3A_180 = arith.negf %slice3A_179 : vector<16x116xf32>
    %logistic3A_181 = math.exp %logistic3A_180 : vector<16x116xf32>
    %logistic3A_182 = arith.constant 1.000000e+00 : f32
    %logistic3A_183 = vector.broadcast %logistic3A_182 : f32 to vector<16x116xf32>
    %logistic3A_184 = arith.addf %logistic3A_183, %logistic3A_181 : vector<16x116xf32>
    %logistic3A_185 = arith.divf %logistic3A_183, %logistic3A_184 : vector<16x116xf32>
    %slice3A_186 = vector.extract_strided_slice %add3A_178 {offsets = [16, 0], sizes = [16, 116], strides = [1, 1]} : vector<64x116xf32> to vector<16x116xf32>
    %logistic3A_187 = arith.negf %slice3A_186 : vector<16x116xf32>
    %logistic3A_188 = math.exp %logistic3A_187 : vector<16x116xf32>
    %logistic3A_189 = arith.constant 1.000000e+00 : f32
    %logistic3A_190 = vector.broadcast %logistic3A_189 : f32 to vector<16x116xf32>
    %logistic3A_191 = arith.addf %logistic3A_190, %logistic3A_188 : vector<16x116xf32>
    %logistic3A_192 = arith.divf %logistic3A_190, %logistic3A_191 : vector<16x116xf32>
    %slice3A_193 = vector.extract_strided_slice %add3A_178 {offsets = [32, 0], sizes = [16, 116], strides = [1, 1]} : vector<64x116xf32> to vector<16x116xf32>
    %tanh3A_194 = math.tanh %slice3A_193 : vector<16x116xf32>
    %slice3A_195 = vector.extract_strided_slice %add3A_178 {offsets = [48, 0], sizes = [16, 116], strides = [1, 1]} : vector<64x116xf32> to vector<16x116xf32>
    %logistic3A_196 = arith.negf %slice3A_195 : vector<16x116xf32>
    %logistic3A_197 = math.exp %logistic3A_196 : vector<16x116xf32>
    %logistic3A_198 = arith.constant 1.000000e+00 : f32
    %logistic3A_199 = vector.broadcast %logistic3A_198 : f32 to vector<16x116xf32>
    %logistic3A_200 = arith.addf %logistic3A_199, %logistic3A_197 : vector<16x116xf32>
    %logistic3A_201 = arith.divf %logistic3A_199, %logistic3A_200 : vector<16x116xf32>
    %mul3A_202 = arith.mulf %logistic3A_192, %add3A_150 : vector<16x116xf32>
    %mul3A_203 = arith.mulf %logistic3A_185, %tanh3A_194 : vector<16x116xf32>
    %add3A_204 = arith.addf %mul3A_202, %mul3A_203 : vector<16x116xf32>
    %tanh3A_205 = math.tanh %add3A_204 : vector<16x116xf32>
    %mul3A_206 = arith.mulf %logistic3A_201, %tanh3A_205 : vector<16x116xf32>
    %get3A_207 = arith.constant 0 : index
    %get3A_208 = arith.constant 0 : index
    %get3A_209 = vector.load %arg6[%get3A_207, %get3A_208] : memref<16x1xf32, #tpu.memory_space<vmem>>, vector<16x1xf32>
    %dot_general3A_210 = arith.constant dense<0.000000e+00> : vector<116x1xf32>
    %dot_general3A_211 = tpu.matmul %mul3A_206, %get3A_209, %dot_general3A_210 {dimension_numbers = #tpu.dot_dimension_numbers<[0], [0], [1], [1], [0, 1, 1, 1], [], []>, transpose_lhs_hint = false} : vector<16x116xf32>, vector<16x1xf32>, vector<116x1xf32> -> vector<116x1xf32>
    %get3A_212 = arith.constant 0 : index
    %get3A_213 = arith.constant 0 : index
    %get3A_214 = vector.load %arg10[%get3A_212, %get3A_213] : memref<64x784xf32, #tpu.memory_space<vmem>>, vector<64x784xf32>
    %get3A_215 = arith.constant 0 : index
    %get3A_216 = arith.constant 0 : index
    %get3A_217 = vector.load %arg8[%get3A_215, %get3A_216] : memref<784x784xf32, #tpu.memory_space<vmem>>, vector<16x784xf32>
    %dot_general3A_218 = arith.constant dense<0.000000e+00> : vector<64x16xf32>
    %dot_general3A_219 = tpu.matmul %get3A_214, %get3A_217, %dot_general3A_218 {dimension_numbers = #tpu.dot_dimension_numbers<[1], [1], [0], [0], [0, 0, 1, 0], [], []>, transpose_lhs_hint = false} : vector<64x784xf32>, vector<16x784xf32>, vector<64x16xf32> -> vector<64x16xf32>
    %get3A_220 = arith.constant 0 : index
    %get3A_221 = arith.constant 0 : index
    %get3A_222 = vector.load %arg10[%get3A_220, %get3A_221] : memref<64x784xf32, #tpu.memory_space<vmem>>, vector<64x784xf32>
    %get3A_223 = arith.constant 16 : index
    %get3A_224 = arith.constant 0 : index
    %get3A_225 = vector.load %arg8[%get3A_223, %get3A_224] : memref<784x784xf32, #tpu.memory_space<vmem>>, vector<768x784xf32>
    %dot_general3A_226 = arith.constant dense<0.000000e+00> : vector<64x768xf32>
    %dot_general3A_227 = tpu.matmul %get3A_222, %get3A_225, %dot_general3A_226 {dimension_numbers = #tpu.dot_dimension_numbers<[1], [1], [0], [0], [0, 0, 1, 0], [], []>, transpose_lhs_hint = false} : vector<64x784xf32>, vector<768x784xf32>, vector<64x768xf32> -> vector<64x768xf32>
    %get3A_228 = arith.constant 0 : index
    %get3A_229 = arith.constant 0 : index
    %get3A_230 = vector.load %arg10[%get3A_228, %get3A_229] : memref<64x784xf32, #tpu.memory_space<vmem>>, vector<64x784xf32>
    %get3A_231 = arith.constant 0 : index
    %get3A_232 = arith.constant 0 : index
    %get3A_233 = vector.load %arg9[%get3A_231, %get3A_232] : memref<1x784xf32, #tpu.memory_space<vmem>>, vector<1x784xf32>
    %dot_general3A_234 = arith.constant dense<0.000000e+00> : vector<64x1xf32>
    %dot_general3A_235 = tpu.matmul %get3A_230, %get3A_233, %dot_general3A_234 {dimension_numbers = #tpu.dot_dimension_numbers<[1], [1], [0], [0], [0, 0, 1, 0], [], []>, transpose_lhs_hint = false} : vector<64x784xf32>, vector<1x784xf32>, vector<64x1xf32> -> vector<64x1xf32>
    %get3A_236 = arith.constant 0 : index
    %get3A_237 = arith.constant 0 : index
    %get3A_238 = arith.constant 0 : index
    %get3A_239 = vector.load %arg0[%get3A_236, %get3A_237, %get3A_238] : memref<4x116x128xf32, #tpu.memory_space<vmem>>, vector<1x116x128xf32>
    %get3A_240 = vector.shape_cast %get3A_239 : vector<1x116x128xf32> to vector<116x128xf32>
    %slice3A_241 = vector.extract_strided_slice %get3A_240 {offsets = [0, 0], sizes = [116, 116], strides = [1, 1]} : vector<116x128xf32> to vector<116x116xf32>
    %transpose3A = tpu.transpose %slice3A_241, [1, 0] : vector<116x116xf32> -> vector<116x116xf32>
    %gt3A = arith.constant 0.000000e+00 : f32
    %gt3A_242 = vector.broadcast %gt3A : f32 to vector<116x116xf32>
    %gt3A_243 = arith.cmpf ogt, %transpose3A, %gt3A_242 : vector<116x116xf32>
    %jit3A = arith.constant -1.000000e+30 : f32
    %broadcast_in_dim3A_244 = vector.shape_cast %dot_general3A_49 : vector<116x1xf32> to vector<116x1xf32>
    %broadcast_in_dim3A_245 = vector.broadcast %broadcast_in_dim3A_244 : vector<116x1xf32> to vector<116x116xf32>
    %broadcast_in_dim3A_246 = vector.broadcast %jit3A : f32 to vector<116x116xf32>
    %select_n3A = arith.select %gt3A_243, %broadcast_in_dim3A_245, %broadcast_in_dim3A_246 : vector<116x116xi1>, vector<116x116xf32>
    %reduce_max3A = arith.constant dense<0xFF800000> : vector<116xf32>
    %reduce_max3A_247 = vector.multi_reduction <maximumf>, %select_n3A, %reduce_max3A [0] : vector<116x116xf32> to vector<116xf32>
    %broadcast_in_dim3A_248 = vector.shape_cast %reduce_max3A_247 : vector<116xf32> to vector<1x116xf32>
    %gt3A_249 = arith.constant -5.000000e+29 : f32
    %gt3A_250 = vector.broadcast %gt3A_249 : f32 to vector<1x116xf32>
    %gt3A_251 = arith.cmpf ogt, %broadcast_in_dim3A_248, %gt3A_250 : vector<1x116xf32>
    %jit3A_252 = arith.constant 0.000000e+00 : f32
    %broadcast_in_dim3A_253 = vector.broadcast %jit3A_252 : f32 to vector<1x116xf32>
    %select_n3A_254 = arith.select %gt3A_251, %broadcast_in_dim3A_248, %broadcast_in_dim3A_253 : vector<1x116xi1>, vector<1x116xf32>
    %sub3A = vector.broadcast %dot_general3A_49 : vector<116x1xf32> to vector<116x116xf32>
    %sub3A_255 = vector.broadcast %select_n3A_254 : vector<1x116xf32> to vector<116x116xf32>
    %sub3A_256 = arith.subf %sub3A, %sub3A_255 : vector<116x116xf32>
    %exp3A = math.exp %sub3A_256 : vector<116x116xf32>
    %mul3A_257 = arith.mulf %transpose3A, %exp3A : vector<116x116xf32>
    %jit3A_258 = arith.constant 0.000000e+00 : f32
    %broadcast_in_dim3A_259 = vector.broadcast %jit3A_258 : f32 to vector<116x116xf32>
    %select_n3A_260 = arith.select %gt3A_243, %mul3A_257, %broadcast_in_dim3A_259 : vector<116x116xi1>, vector<116x116xf32>
    %reduce_sum3A = arith.constant dense<0.000000e+00> : vector<116xf32>
    %reduce_sum3A_261 = vector.multi_reduction <add>, %select_n3A_260, %reduce_sum3A [0] : vector<116x116xf32> to vector<116xf32>
    %broadcast_in_dim3A_262 = vector.shape_cast %reduce_sum3A_261 : vector<116xf32> to vector<1x116xf32>
    %dot_general3A_263 = arith.constant dense<0.000000e+00> : vector<16x116xf32>
    %dot_general3A_264 = tpu.matmul %mul3A_44, %select_n3A_260, %dot_general3A_263 {dimension_numbers = #tpu.dot_dimension_numbers<[1], [0], [0], [1], [0, 0, 1, 1], [], []>, transpose_lhs_hint = false} : vector<16x116xf32>, vector<116x116xf32>, vector<16x116xf32> -> vector<16x116xf32>
    %add3A_265 = arith.constant 9.99999971E-10 : f32
    %add3A_266 = vector.broadcast %add3A_265 : f32 to vector<1x116xf32>
    %add3A_267 = arith.addf %broadcast_in_dim3A_262, %add3A_266 : vector<1x116xf32>
    %div3A = vector.broadcast %add3A_267 : vector<1x116xf32> to vector<16x116xf32>
    %div3A_268 = arith.divf %dot_general3A_264, %div3A : vector<16x116xf32>
    %get3A_269 = arith.constant 0 : index
    %get3A_270 = arith.constant 0 : index
    %get3A_271 = arith.constant 0 : index
    %get3A_272 = vector.load %arg1[%get3A_269, %get3A_270, %get3A_271] : memref<4x116x768xf32, #tpu.memory_space<vmem>>, vector<1x116x768xf32>
    %get3A_273 = vector.shape_cast %get3A_272 : vector<1x116x768xf32> to vector<116x768xf32>
    %get3A_274 = arith.constant 0 : index
    %get3A_275 = arith.constant 0 : index
    %get3A_276 = vector.load %arg7[%get3A_274, %get3A_275] : memref<784x1xf32, #tpu.memory_space<vmem>>, vector<16x1xf32>
    %dot_general3A_277 = arith.constant dense<0.000000e+00> : vector<116x1xf32>
    %dot_general3A_278 = tpu.matmul %div3A_268, %get3A_276, %dot_general3A_277 {dimension_numbers = #tpu.dot_dimension_numbers<[0], [0], [1], [1], [0, 1, 1, 1], [], []>, transpose_lhs_hint = false} : vector<16x116xf32>, vector<16x1xf32>, vector<116x1xf32> -> vector<116x1xf32>
    %get3A_279 = arith.constant 16 : index
    %get3A_280 = arith.constant 0 : index
    %get3A_281 = vector.load %arg7[%get3A_279, %get3A_280] : memref<784x1xf32, #tpu.memory_space<vmem>>, vector<768x1xf32>
    %dot_general3A_282 = arith.constant dense<0.000000e+00> : vector<116x1xf32>
    %dot_general3A_283 = tpu.matmul %get3A_273, %get3A_281, %dot_general3A_282 {dimension_numbers = #tpu.dot_dimension_numbers<[1], [0], [0], [1], [0, 0, 1, 1], [], []>, transpose_lhs_hint = false} : vector<116x768xf32>, vector<768x1xf32>, vector<116x1xf32> -> vector<116x1xf32>
    %add3A_284 = arith.addf %dot_general3A_278, %dot_general3A_283 : vector<116x1xf32>
    %gt3A_285 = arith.constant 0.000000e+00 : f32
    %gt3A_286 = vector.broadcast %gt3A_285 : f32 to vector<116x116xf32>
    %gt3A_287 = arith.cmpf ogt, %slice3A_241, %gt3A_286 : vector<116x116xf32>
    %jit3A_288 = arith.constant -1.000000e+30 : f32
    %broadcast_in_dim3A_289 = vector.shape_cast %add3A_284 : vector<116x1xf32> to vector<116x1xf32>
    %broadcast_in_dim3A_290 = vector.broadcast %broadcast_in_dim3A_289 : vector<116x1xf32> to vector<116x116xf32>
    %broadcast_in_dim3A_291 = vector.broadcast %jit3A_288 : f32 to vector<116x116xf32>
    %select_n3A_292 = arith.select %gt3A_287, %broadcast_in_dim3A_290, %broadcast_in_dim3A_291 : vector<116x116xi1>, vector<116x116xf32>
    %reduce_max3A_293 = arith.constant dense<0xFF800000> : vector<116xf32>
    %reduce_max3A_294 = vector.multi_reduction <maximumf>, %select_n3A_292, %reduce_max3A_293 [0] : vector<116x116xf32> to vector<116xf32>
    %broadcast_in_dim3A_295 = vector.shape_cast %reduce_max3A_294 : vector<116xf32> to vector<1x116xf32>
    %gt3A_296 = arith.constant -5.000000e+29 : f32
    %gt3A_297 = vector.broadcast %gt3A_296 : f32 to vector<1x116xf32>
    %gt3A_298 = arith.cmpf ogt, %broadcast_in_dim3A_295, %gt3A_297 : vector<1x116xf32>
    %jit3A_299 = arith.constant 0.000000e+00 : f32
    %broadcast_in_dim3A_300 = vector.broadcast %jit3A_299 : f32 to vector<1x116xf32>
    %select_n3A_301 = arith.select %gt3A_298, %broadcast_in_dim3A_295, %broadcast_in_dim3A_300 : vector<1x116xi1>, vector<1x116xf32>
    %sub3A_302 = vector.broadcast %add3A_284 : vector<116x1xf32> to vector<116x116xf32>
    %sub3A_303 = vector.broadcast %select_n3A_301 : vector<1x116xf32> to vector<116x116xf32>
    %sub3A_304 = arith.subf %sub3A_302, %sub3A_303 : vector<116x116xf32>
    %exp3A_305 = math.exp %sub3A_304 : vector<116x116xf32>
    %mul3A_306 = arith.mulf %slice3A_241, %exp3A_305 : vector<116x116xf32>
    %jit3A_307 = arith.constant 0.000000e+00 : f32
    %broadcast_in_dim3A_308 = vector.broadcast %jit3A_307 : f32 to vector<116x116xf32>
    %select_n3A_309 = arith.select %gt3A_287, %mul3A_306, %broadcast_in_dim3A_308 : vector<116x116xi1>, vector<116x116xf32>
    %reduce_sum3A_310 = arith.constant dense<0.000000e+00> : vector<116xf32>
    %reduce_sum3A_311 = vector.multi_reduction <add>, %select_n3A_309, %reduce_sum3A_310 [0] : vector<116x116xf32> to vector<116xf32>
    %broadcast_in_dim3A_312 = vector.shape_cast %reduce_sum3A_311 : vector<116xf32> to vector<1x116xf32>
    %dot_general3A_313 = arith.constant dense<0.000000e+00> : vector<64x116xf32>
    %dot_general3A_314 = tpu.matmul %dot_general3A_219, %div3A_268, %dot_general3A_313 {dimension_numbers = #tpu.dot_dimension_numbers<[1], [0], [0], [1], [0, 0, 1, 1], [], []>, transpose_lhs_hint = false} : vector<64x16xf32>, vector<16x116xf32>, vector<64x116xf32> -> vector<64x116xf32>
    %dot_general3A_315 = arith.constant dense<0.000000e+00> : vector<64x116xf32>
    %dot_general3A_316 = tpu.matmul %dot_general3A_227, %get3A_273, %dot_general3A_315 {dimension_numbers = #tpu.dot_dimension_numbers<[1], [1], [0], [0], [0, 0, 1, 0], [], []>, transpose_lhs_hint = false} : vector<64x768xf32>, vector<116x768xf32>, vector<64x116xf32> -> vector<64x116xf32>
    %add3A_317 = arith.addf %dot_general3A_314, %dot_general3A_316 : vector<64x116xf32>
    %dot_general3A_318 = arith.constant dense<0.000000e+00> : vector<64x116xf32>
    %dot_general3A_319 = tpu.matmul %add3A_317, %select_n3A_309, %dot_general3A_318 {dimension_numbers = #tpu.dot_dimension_numbers<[1], [0], [0], [1], [0, 0, 1, 1], [], []>, transpose_lhs_hint = false} : vector<64x116xf32>, vector<116x116xf32>, vector<64x116xf32> -> vector<64x116xf32>
    %add3A_320 = arith.constant 9.99999971E-10 : f32
    %add3A_321 = vector.broadcast %add3A_320 : f32 to vector<1x116xf32>
    %add3A_322 = arith.addf %broadcast_in_dim3A_312, %add3A_321 : vector<1x116xf32>
    %div3A_323 = vector.broadcast %add3A_322 : vector<1x116xf32> to vector<64x116xf32>
    %div3A_324 = arith.divf %dot_general3A_319, %div3A_323 : vector<64x116xf32>
    %gt3A_325 = arith.constant 0.000000e+00 : f32
    %gt3A_326 = vector.broadcast %gt3A_325 : f32 to vector<1x116xf32>
    %gt3A_327 = arith.cmpf ogt, %broadcast_in_dim3A_312, %gt3A_326 : vector<1x116xf32>
    %add3A_328 = vector.broadcast %dot_general3A_235 : vector<64x1xf32> to vector<64x116xf32>
    %add3A_329 = arith.addf %div3A_324, %add3A_328 : vector<64x116xf32>
    %jit3A_330 = arith.constant 0.000000e+00 : f32
    %broadcast_in_dim3A_331 = vector.shape_cast %gt3A_327 : vector<1x116xi1> to vector<1x116xi1>
    %broadcast_in_dim3A_332 = vector.broadcast %broadcast_in_dim3A_331 : vector<1x116xi1> to vector<64x116xi1>
    %broadcast_in_dim3A_333 = vector.broadcast %jit3A_330 : f32 to vector<64x116xf32>
    %select_n3A_334 = arith.select %broadcast_in_dim3A_332, %add3A_329, %broadcast_in_dim3A_333 : vector<64x116xi1>, vector<64x116xf32>
    %get3A_335 = arith.constant 1 : index
    %get3A_336 = arith.constant 0 : index
    %get3A_337 = arith.constant 0 : index
    %get3A_338 = vector.load %arg0[%get3A_335, %get3A_336, %get3A_337] : memref<4x116x128xf32, #tpu.memory_space<vmem>>, vector<1x116x128xf32>
    %get3A_339 = vector.shape_cast %get3A_338 : vector<1x116x128xf32> to vector<116x128xf32>
    %slice3A_340 = vector.extract_strided_slice %get3A_339 {offsets = [0, 0], sizes = [116, 116], strides = [1, 1]} : vector<116x128xf32> to vector<116x116xf32>
    %transpose3A_341 = tpu.transpose %slice3A_340, [1, 0] : vector<116x116xf32> -> vector<116x116xf32>
    %gt3A_342 = arith.constant 0.000000e+00 : f32
    %gt3A_343 = vector.broadcast %gt3A_342 : f32 to vector<116x116xf32>
    %gt3A_344 = arith.cmpf ogt, %transpose3A_341, %gt3A_343 : vector<116x116xf32>
    %jit3A_345 = arith.constant -1.000000e+30 : f32
    %broadcast_in_dim3A_346 = vector.shape_cast %dot_general3A_103 : vector<116x1xf32> to vector<116x1xf32>
    %broadcast_in_dim3A_347 = vector.broadcast %broadcast_in_dim3A_346 : vector<116x1xf32> to vector<116x116xf32>
    %broadcast_in_dim3A_348 = vector.broadcast %jit3A_345 : f32 to vector<116x116xf32>
    %select_n3A_349 = arith.select %gt3A_344, %broadcast_in_dim3A_347, %broadcast_in_dim3A_348 : vector<116x116xi1>, vector<116x116xf32>
    %reduce_max3A_350 = arith.constant dense<0xFF800000> : vector<116xf32>
    %reduce_max3A_351 = vector.multi_reduction <maximumf>, %select_n3A_349, %reduce_max3A_350 [0] : vector<116x116xf32> to vector<116xf32>
    %broadcast_in_dim3A_352 = vector.shape_cast %reduce_max3A_351 : vector<116xf32> to vector<1x116xf32>
    %gt3A_353 = arith.constant -5.000000e+29 : f32
    %gt3A_354 = vector.broadcast %gt3A_353 : f32 to vector<1x116xf32>
    %gt3A_355 = arith.cmpf ogt, %broadcast_in_dim3A_352, %gt3A_354 : vector<1x116xf32>
    %jit3A_356 = arith.constant 0.000000e+00 : f32
    %broadcast_in_dim3A_357 = vector.broadcast %jit3A_356 : f32 to vector<1x116xf32>
    %select_n3A_358 = arith.select %gt3A_355, %broadcast_in_dim3A_352, %broadcast_in_dim3A_357 : vector<1x116xi1>, vector<1x116xf32>
    %sub3A_359 = vector.broadcast %dot_general3A_103 : vector<116x1xf32> to vector<116x116xf32>
    %sub3A_360 = vector.broadcast %select_n3A_358 : vector<1x116xf32> to vector<116x116xf32>
    %sub3A_361 = arith.subf %sub3A_359, %sub3A_360 : vector<116x116xf32>
    %exp3A_362 = math.exp %sub3A_361 : vector<116x116xf32>
    %mul3A_363 = arith.mulf %transpose3A_341, %exp3A_362 : vector<116x116xf32>
    %jit3A_364 = arith.constant 0.000000e+00 : f32
    %broadcast_in_dim3A_365 = vector.broadcast %jit3A_364 : f32 to vector<116x116xf32>
    %select_n3A_366 = arith.select %gt3A_344, %mul3A_363, %broadcast_in_dim3A_365 : vector<116x116xi1>, vector<116x116xf32>
    %reduce_sum3A_367 = arith.constant dense<0.000000e+00> : vector<116xf32>
    %reduce_sum3A_368 = vector.multi_reduction <add>, %select_n3A_366, %reduce_sum3A_367 [0] : vector<116x116xf32> to vector<116xf32>
    %broadcast_in_dim3A_369 = vector.shape_cast %reduce_sum3A_368 : vector<116xf32> to vector<1x116xf32>
    %dot_general3A_370 = arith.constant dense<0.000000e+00> : vector<16x116xf32>
    %dot_general3A_371 = tpu.matmul %mul3A_98, %select_n3A_366, %dot_general3A_370 {dimension_numbers = #tpu.dot_dimension_numbers<[1], [0], [0], [1], [0, 0, 1, 1], [], []>, transpose_lhs_hint = false} : vector<16x116xf32>, vector<116x116xf32>, vector<16x116xf32> -> vector<16x116xf32>
    %add3A_372 = arith.constant 9.99999971E-10 : f32
    %add3A_373 = vector.broadcast %add3A_372 : f32 to vector<1x116xf32>
    %add3A_374 = arith.addf %broadcast_in_dim3A_369, %add3A_373 : vector<1x116xf32>
    %div3A_375 = vector.broadcast %add3A_374 : vector<1x116xf32> to vector<16x116xf32>
    %div3A_376 = arith.divf %dot_general3A_371, %div3A_375 : vector<16x116xf32>
    %get3A_377 = arith.constant 1 : index
    %get3A_378 = arith.constant 0 : index
    %get3A_379 = arith.constant 0 : index
    %get3A_380 = vector.load %arg1[%get3A_377, %get3A_378, %get3A_379] : memref<4x116x768xf32, #tpu.memory_space<vmem>>, vector<1x116x768xf32>
    %get3A_381 = vector.shape_cast %get3A_380 : vector<1x116x768xf32> to vector<116x768xf32>
    %get3A_382 = arith.constant 0 : index
    %get3A_383 = arith.constant 0 : index
    %get3A_384 = vector.load %arg7[%get3A_382, %get3A_383] : memref<784x1xf32, #tpu.memory_space<vmem>>, vector<16x1xf32>
    %dot_general3A_385 = arith.constant dense<0.000000e+00> : vector<116x1xf32>
    %dot_general3A_386 = tpu.matmul %div3A_376, %get3A_384, %dot_general3A_385 {dimension_numbers = #tpu.dot_dimension_numbers<[0], [0], [1], [1], [0, 1, 1, 1], [], []>, transpose_lhs_hint = false} : vector<16x116xf32>, vector<16x1xf32>, vector<116x1xf32> -> vector<116x1xf32>
    %get3A_387 = arith.constant 16 : index
    %get3A_388 = arith.constant 0 : index
    %get3A_389 = vector.load %arg7[%get3A_387, %get3A_388] : memref<784x1xf32, #tpu.memory_space<vmem>>, vector<768x1xf32>
    %dot_general3A_390 = arith.constant dense<0.000000e+00> : vector<116x1xf32>
    %dot_general3A_391 = tpu.matmul %get3A_381, %get3A_389, %dot_general3A_390 {dimension_numbers = #tpu.dot_dimension_numbers<[1], [0], [0], [1], [0, 0, 1, 1], [], []>, transpose_lhs_hint = false} : vector<116x768xf32>, vector<768x1xf32>, vector<116x1xf32> -> vector<116x1xf32>
    %add3A_392 = arith.addf %dot_general3A_386, %dot_general3A_391 : vector<116x1xf32>
    %gt3A_393 = arith.constant 0.000000e+00 : f32
    %gt3A_394 = vector.broadcast %gt3A_393 : f32 to vector<116x116xf32>
    %gt3A_395 = arith.cmpf ogt, %slice3A_340, %gt3A_394 : vector<116x116xf32>
    %jit3A_396 = arith.constant -1.000000e+30 : f32
    %broadcast_in_dim3A_397 = vector.shape_cast %add3A_392 : vector<116x1xf32> to vector<116x1xf32>
    %broadcast_in_dim3A_398 = vector.broadcast %broadcast_in_dim3A_397 : vector<116x1xf32> to vector<116x116xf32>
    %broadcast_in_dim3A_399 = vector.broadcast %jit3A_396 : f32 to vector<116x116xf32>
    %select_n3A_400 = arith.select %gt3A_395, %broadcast_in_dim3A_398, %broadcast_in_dim3A_399 : vector<116x116xi1>, vector<116x116xf32>
    %reduce_max3A_401 = arith.constant dense<0xFF800000> : vector<116xf32>
    %reduce_max3A_402 = vector.multi_reduction <maximumf>, %select_n3A_400, %reduce_max3A_401 [0] : vector<116x116xf32> to vector<116xf32>
    %broadcast_in_dim3A_403 = vector.shape_cast %reduce_max3A_402 : vector<116xf32> to vector<1x116xf32>
    %gt3A_404 = arith.constant -5.000000e+29 : f32
    %gt3A_405 = vector.broadcast %gt3A_404 : f32 to vector<1x116xf32>
    %gt3A_406 = arith.cmpf ogt, %broadcast_in_dim3A_403, %gt3A_405 : vector<1x116xf32>
    %jit3A_407 = arith.constant 0.000000e+00 : f32
    %broadcast_in_dim3A_408 = vector.broadcast %jit3A_407 : f32 to vector<1x116xf32>
    %select_n3A_409 = arith.select %gt3A_406, %broadcast_in_dim3A_403, %broadcast_in_dim3A_408 : vector<1x116xi1>, vector<1x116xf32>
    %sub3A_410 = vector.broadcast %add3A_392 : vector<116x1xf32> to vector<116x116xf32>
    %sub3A_411 = vector.broadcast %select_n3A_409 : vector<1x116xf32> to vector<116x116xf32>
    %sub3A_412 = arith.subf %sub3A_410, %sub3A_411 : vector<116x116xf32>
    %exp3A_413 = math.exp %sub3A_412 : vector<116x116xf32>
    %mul3A_414 = arith.mulf %slice3A_340, %exp3A_413 : vector<116x116xf32>
    %jit3A_415 = arith.constant 0.000000e+00 : f32
    %broadcast_in_dim3A_416 = vector.broadcast %jit3A_415 : f32 to vector<116x116xf32>
    %select_n3A_417 = arith.select %gt3A_395, %mul3A_414, %broadcast_in_dim3A_416 : vector<116x116xi1>, vector<116x116xf32>
    %reduce_sum3A_418 = arith.constant dense<0.000000e+00> : vector<116xf32>
    %reduce_sum3A_419 = vector.multi_reduction <add>, %select_n3A_417, %reduce_sum3A_418 [0] : vector<116x116xf32> to vector<116xf32>
    %broadcast_in_dim3A_420 = vector.shape_cast %reduce_sum3A_419 : vector<116xf32> to vector<1x116xf32>
    %dot_general3A_421 = arith.constant dense<0.000000e+00> : vector<64x116xf32>
    %dot_general3A_422 = tpu.matmul %dot_general3A_219, %div3A_376, %dot_general3A_421 {dimension_numbers = #tpu.dot_dimension_numbers<[1], [0], [0], [1], [0, 0, 1, 1], [], []>, transpose_lhs_hint = false} : vector<64x16xf32>, vector<16x116xf32>, vector<64x116xf32> -> vector<64x116xf32>
    %dot_general3A_423 = arith.constant dense<0.000000e+00> : vector<64x116xf32>
    %dot_general3A_424 = tpu.matmul %dot_general3A_227, %get3A_381, %dot_general3A_423 {dimension_numbers = #tpu.dot_dimension_numbers<[1], [1], [0], [0], [0, 0, 1, 0], [], []>, transpose_lhs_hint = false} : vector<64x768xf32>, vector<116x768xf32>, vector<64x116xf32> -> vector<64x116xf32>
    %add3A_425 = arith.addf %dot_general3A_422, %dot_general3A_424 : vector<64x116xf32>
    %dot_general3A_426 = arith.constant dense<0.000000e+00> : vector<64x116xf32>
    %dot_general3A_427 = tpu.matmul %add3A_425, %select_n3A_417, %dot_general3A_426 {dimension_numbers = #tpu.dot_dimension_numbers<[1], [0], [0], [1], [0, 0, 1, 1], [], []>, transpose_lhs_hint = false} : vector<64x116xf32>, vector<116x116xf32>, vector<64x116xf32> -> vector<64x116xf32>
    %add3A_428 = arith.constant 9.99999971E-10 : f32
    %add3A_429 = vector.broadcast %add3A_428 : f32 to vector<1x116xf32>
    %add3A_430 = arith.addf %broadcast_in_dim3A_420, %add3A_429 : vector<1x116xf32>
    %div3A_431 = vector.broadcast %add3A_430 : vector<1x116xf32> to vector<64x116xf32>
    %div3A_432 = arith.divf %dot_general3A_427, %div3A_431 : vector<64x116xf32>
    %gt3A_433 = arith.constant 0.000000e+00 : f32
    %gt3A_434 = vector.broadcast %gt3A_433 : f32 to vector<1x116xf32>
    %gt3A_435 = arith.cmpf ogt, %broadcast_in_dim3A_420, %gt3A_434 : vector<1x116xf32>
    %add3A_436 = vector.broadcast %dot_general3A_235 : vector<64x1xf32> to vector<64x116xf32>
    %add3A_437 = arith.addf %div3A_432, %add3A_436 : vector<64x116xf32>
    %jit3A_438 = arith.constant 0.000000e+00 : f32
    %broadcast_in_dim3A_439 = vector.shape_cast %gt3A_435 : vector<1x116xi1> to vector<1x116xi1>
    %broadcast_in_dim3A_440 = vector.broadcast %broadcast_in_dim3A_439 : vector<1x116xi1> to vector<64x116xi1>
    %broadcast_in_dim3A_441 = vector.broadcast %jit3A_438 : f32 to vector<64x116xf32>
    %select_n3A_442 = arith.select %broadcast_in_dim3A_440, %add3A_437, %broadcast_in_dim3A_441 : vector<64x116xi1>, vector<64x116xf32>
    %get3A_443 = arith.constant 2 : index
    %get3A_444 = arith.constant 0 : index
    %get3A_445 = arith.constant 0 : index
    %get3A_446 = vector.load %arg0[%get3A_443, %get3A_444, %get3A_445] : memref<4x116x128xf32, #tpu.memory_space<vmem>>, vector<1x116x128xf32>
    %get3A_447 = vector.shape_cast %get3A_446 : vector<1x116x128xf32> to vector<116x128xf32>
    %slice3A_448 = vector.extract_strided_slice %get3A_447 {offsets = [0, 0], sizes = [116, 116], strides = [1, 1]} : vector<116x128xf32> to vector<116x116xf32>
    %transpose3A_449 = tpu.transpose %slice3A_448, [1, 0] : vector<116x116xf32> -> vector<116x116xf32>
    %gt3A_450 = arith.constant 0.000000e+00 : f32
    %gt3A_451 = vector.broadcast %gt3A_450 : f32 to vector<116x116xf32>
    %gt3A_452 = arith.cmpf ogt, %transpose3A_449, %gt3A_451 : vector<116x116xf32>
    %jit3A_453 = arith.constant -1.000000e+30 : f32
    %broadcast_in_dim3A_454 = vector.shape_cast %dot_general3A_157 : vector<116x1xf32> to vector<116x1xf32>
    %broadcast_in_dim3A_455 = vector.broadcast %broadcast_in_dim3A_454 : vector<116x1xf32> to vector<116x116xf32>
    %broadcast_in_dim3A_456 = vector.broadcast %jit3A_453 : f32 to vector<116x116xf32>
    %select_n3A_457 = arith.select %gt3A_452, %broadcast_in_dim3A_455, %broadcast_in_dim3A_456 : vector<116x116xi1>, vector<116x116xf32>
    %reduce_max3A_458 = arith.constant dense<0xFF800000> : vector<116xf32>
    %reduce_max3A_459 = vector.multi_reduction <maximumf>, %select_n3A_457, %reduce_max3A_458 [0] : vector<116x116xf32> to vector<116xf32>
    %broadcast_in_dim3A_460 = vector.shape_cast %reduce_max3A_459 : vector<116xf32> to vector<1x116xf32>
    %gt3A_461 = arith.constant -5.000000e+29 : f32
    %gt3A_462 = vector.broadcast %gt3A_461 : f32 to vector<1x116xf32>
    %gt3A_463 = arith.cmpf ogt, %broadcast_in_dim3A_460, %gt3A_462 : vector<1x116xf32>
    %jit3A_464 = arith.constant 0.000000e+00 : f32
    %broadcast_in_dim3A_465 = vector.broadcast %jit3A_464 : f32 to vector<1x116xf32>
    %select_n3A_466 = arith.select %gt3A_463, %broadcast_in_dim3A_460, %broadcast_in_dim3A_465 : vector<1x116xi1>, vector<1x116xf32>
    %sub3A_467 = vector.broadcast %dot_general3A_157 : vector<116x1xf32> to vector<116x116xf32>
    %sub3A_468 = vector.broadcast %select_n3A_466 : vector<1x116xf32> to vector<116x116xf32>
    %sub3A_469 = arith.subf %sub3A_467, %sub3A_468 : vector<116x116xf32>
    %exp3A_470 = math.exp %sub3A_469 : vector<116x116xf32>
    %mul3A_471 = arith.mulf %transpose3A_449, %exp3A_470 : vector<116x116xf32>
    %jit3A_472 = arith.constant 0.000000e+00 : f32
    %broadcast_in_dim3A_473 = vector.broadcast %jit3A_472 : f32 to vector<116x116xf32>
    %select_n3A_474 = arith.select %gt3A_452, %mul3A_471, %broadcast_in_dim3A_473 : vector<116x116xi1>, vector<116x116xf32>
    %reduce_sum3A_475 = arith.constant dense<0.000000e+00> : vector<116xf32>
    %reduce_sum3A_476 = vector.multi_reduction <add>, %select_n3A_474, %reduce_sum3A_475 [0] : vector<116x116xf32> to vector<116xf32>
    %broadcast_in_dim3A_477 = vector.shape_cast %reduce_sum3A_476 : vector<116xf32> to vector<1x116xf32>
    %dot_general3A_478 = arith.constant dense<0.000000e+00> : vector<16x116xf32>
    %dot_general3A_479 = tpu.matmul %mul3A_152, %select_n3A_474, %dot_general3A_478 {dimension_numbers = #tpu.dot_dimension_numbers<[1], [0], [0], [1], [0, 0, 1, 1], [], []>, transpose_lhs_hint = false} : vector<16x116xf32>, vector<116x116xf32>, vector<16x116xf32> -> vector<16x116xf32>
    %add3A_480 = arith.constant 9.99999971E-10 : f32
    %add3A_481 = vector.broadcast %add3A_480 : f32 to vector<1x116xf32>
    %add3A_482 = arith.addf %broadcast_in_dim3A_477, %add3A_481 : vector<1x116xf32>
    %div3A_483 = vector.broadcast %add3A_482 : vector<1x116xf32> to vector<16x116xf32>
    %div3A_484 = arith.divf %dot_general3A_479, %div3A_483 : vector<16x116xf32>
    %get3A_485 = arith.constant 2 : index
    %get3A_486 = arith.constant 0 : index
    %get3A_487 = arith.constant 0 : index
    %get3A_488 = vector.load %arg1[%get3A_485, %get3A_486, %get3A_487] : memref<4x116x768xf32, #tpu.memory_space<vmem>>, vector<1x116x768xf32>
    %get3A_489 = vector.shape_cast %get3A_488 : vector<1x116x768xf32> to vector<116x768xf32>
    %get3A_490 = arith.constant 0 : index
    %get3A_491 = arith.constant 0 : index
    %get3A_492 = vector.load %arg7[%get3A_490, %get3A_491] : memref<784x1xf32, #tpu.memory_space<vmem>>, vector<16x1xf32>
    %dot_general3A_493 = arith.constant dense<0.000000e+00> : vector<116x1xf32>
    %dot_general3A_494 = tpu.matmul %div3A_484, %get3A_492, %dot_general3A_493 {dimension_numbers = #tpu.dot_dimension_numbers<[0], [0], [1], [1], [0, 1, 1, 1], [], []>, transpose_lhs_hint = false} : vector<16x116xf32>, vector<16x1xf32>, vector<116x1xf32> -> vector<116x1xf32>
    %get3A_495 = arith.constant 16 : index
    %get3A_496 = arith.constant 0 : index
    %get3A_497 = vector.load %arg7[%get3A_495, %get3A_496] : memref<784x1xf32, #tpu.memory_space<vmem>>, vector<768x1xf32>
    %dot_general3A_498 = arith.constant dense<0.000000e+00> : vector<116x1xf32>
    %dot_general3A_499 = tpu.matmul %get3A_489, %get3A_497, %dot_general3A_498 {dimension_numbers = #tpu.dot_dimension_numbers<[1], [0], [0], [1], [0, 0, 1, 1], [], []>, transpose_lhs_hint = false} : vector<116x768xf32>, vector<768x1xf32>, vector<116x1xf32> -> vector<116x1xf32>
    %add3A_500 = arith.addf %dot_general3A_494, %dot_general3A_499 : vector<116x1xf32>
    %gt3A_501 = arith.constant 0.000000e+00 : f32
    %gt3A_502 = vector.broadcast %gt3A_501 : f32 to vector<116x116xf32>
    %gt3A_503 = arith.cmpf ogt, %slice3A_448, %gt3A_502 : vector<116x116xf32>
    %jit3A_504 = arith.constant -1.000000e+30 : f32
    %broadcast_in_dim3A_505 = vector.shape_cast %add3A_500 : vector<116x1xf32> to vector<116x1xf32>
    %broadcast_in_dim3A_506 = vector.broadcast %broadcast_in_dim3A_505 : vector<116x1xf32> to vector<116x116xf32>
    %broadcast_in_dim3A_507 = vector.broadcast %jit3A_504 : f32 to vector<116x116xf32>
    %select_n3A_508 = arith.select %gt3A_503, %broadcast_in_dim3A_506, %broadcast_in_dim3A_507 : vector<116x116xi1>, vector<116x116xf32>
    %reduce_max3A_509 = arith.constant dense<0xFF800000> : vector<116xf32>
    %reduce_max3A_510 = vector.multi_reduction <maximumf>, %select_n3A_508, %reduce_max3A_509 [0] : vector<116x116xf32> to vector<116xf32>
    %broadcast_in_dim3A_511 = vector.shape_cast %reduce_max3A_510 : vector<116xf32> to vector<1x116xf32>
    %gt3A_512 = arith.constant -5.000000e+29 : f32
    %gt3A_513 = vector.broadcast %gt3A_512 : f32 to vector<1x116xf32>
    %gt3A_514 = arith.cmpf ogt, %broadcast_in_dim3A_511, %gt3A_513 : vector<1x116xf32>
    %jit3A_515 = arith.constant 0.000000e+00 : f32
    %broadcast_in_dim3A_516 = vector.broadcast %jit3A_515 : f32 to vector<1x116xf32>
    %select_n3A_517 = arith.select %gt3A_514, %broadcast_in_dim3A_511, %broadcast_in_dim3A_516 : vector<1x116xi1>, vector<1x116xf32>
    %sub3A_518 = vector.broadcast %add3A_500 : vector<116x1xf32> to vector<116x116xf32>
    %sub3A_519 = vector.broadcast %select_n3A_517 : vector<1x116xf32> to vector<116x116xf32>
    %sub3A_520 = arith.subf %sub3A_518, %sub3A_519 : vector<116x116xf32>
    %exp3A_521 = math.exp %sub3A_520 : vector<116x116xf32>
    %mul3A_522 = arith.mulf %slice3A_448, %exp3A_521 : vector<116x116xf32>
    %jit3A_523 = arith.constant 0.000000e+00 : f32
    %broadcast_in_dim3A_524 = vector.broadcast %jit3A_523 : f32 to vector<116x116xf32>
    %select_n3A_525 = arith.select %gt3A_503, %mul3A_522, %broadcast_in_dim3A_524 : vector<116x116xi1>, vector<116x116xf32>
    %reduce_sum3A_526 = arith.constant dense<0.000000e+00> : vector<116xf32>
    %reduce_sum3A_527 = vector.multi_reduction <add>, %select_n3A_525, %reduce_sum3A_526 [0] : vector<116x116xf32> to vector<116xf32>
    %broadcast_in_dim3A_528 = vector.shape_cast %reduce_sum3A_527 : vector<116xf32> to vector<1x116xf32>
    %dot_general3A_529 = arith.constant dense<0.000000e+00> : vector<64x116xf32>
    %dot_general3A_530 = tpu.matmul %dot_general3A_219, %div3A_484, %dot_general3A_529 {dimension_numbers = #tpu.dot_dimension_numbers<[1], [0], [0], [1], [0, 0, 1, 1], [], []>, transpose_lhs_hint = false} : vector<64x16xf32>, vector<16x116xf32>, vector<64x116xf32> -> vector<64x116xf32>
    %dot_general3A_531 = arith.constant dense<0.000000e+00> : vector<64x116xf32>
    %dot_general3A_532 = tpu.matmul %dot_general3A_227, %get3A_489, %dot_general3A_531 {dimension_numbers = #tpu.dot_dimension_numbers<[1], [1], [0], [0], [0, 0, 1, 0], [], []>, transpose_lhs_hint = false} : vector<64x768xf32>, vector<116x768xf32>, vector<64x116xf32> -> vector<64x116xf32>
    %add3A_533 = arith.addf %dot_general3A_530, %dot_general3A_532 : vector<64x116xf32>
    %dot_general3A_534 = arith.constant dense<0.000000e+00> : vector<64x116xf32>
    %dot_general3A_535 = tpu.matmul %add3A_533, %select_n3A_525, %dot_general3A_534 {dimension_numbers = #tpu.dot_dimension_numbers<[1], [0], [0], [1], [0, 0, 1, 1], [], []>, transpose_lhs_hint = false} : vector<64x116xf32>, vector<116x116xf32>, vector<64x116xf32> -> vector<64x116xf32>
    %add3A_536 = arith.constant 9.99999971E-10 : f32
    %add3A_537 = vector.broadcast %add3A_536 : f32 to vector<1x116xf32>
    %add3A_538 = arith.addf %broadcast_in_dim3A_528, %add3A_537 : vector<1x116xf32>
    %div3A_539 = vector.broadcast %add3A_538 : vector<1x116xf32> to vector<64x116xf32>
    %div3A_540 = arith.divf %dot_general3A_535, %div3A_539 : vector<64x116xf32>
    %gt3A_541 = arith.constant 0.000000e+00 : f32
    %gt3A_542 = vector.broadcast %gt3A_541 : f32 to vector<1x116xf32>
    %gt3A_543 = arith.cmpf ogt, %broadcast_in_dim3A_528, %gt3A_542 : vector<1x116xf32>
    %add3A_544 = vector.broadcast %dot_general3A_235 : vector<64x1xf32> to vector<64x116xf32>
    %add3A_545 = arith.addf %div3A_540, %add3A_544 : vector<64x116xf32>
    %jit3A_546 = arith.constant 0.000000e+00 : f32
    %broadcast_in_dim3A_547 = vector.shape_cast %gt3A_543 : vector<1x116xi1> to vector<1x116xi1>
    %broadcast_in_dim3A_548 = vector.broadcast %broadcast_in_dim3A_547 : vector<1x116xi1> to vector<64x116xi1>
    %broadcast_in_dim3A_549 = vector.broadcast %jit3A_546 : f32 to vector<64x116xf32>
    %select_n3A_550 = arith.select %broadcast_in_dim3A_548, %add3A_545, %broadcast_in_dim3A_549 : vector<64x116xi1>, vector<64x116xf32>
    %get3A_551 = arith.constant 3 : index
    %get3A_552 = arith.constant 0 : index
    %get3A_553 = arith.constant 0 : index
    %get3A_554 = vector.load %arg0[%get3A_551, %get3A_552, %get3A_553] : memref<4x116x128xf32, #tpu.memory_space<vmem>>, vector<1x116x128xf32>
    %get3A_555 = vector.shape_cast %get3A_554 : vector<1x116x128xf32> to vector<116x128xf32>
    %slice3A_556 = vector.extract_strided_slice %get3A_555 {offsets = [0, 0], sizes = [116, 116], strides = [1, 1]} : vector<116x128xf32> to vector<116x116xf32>
    %transpose3A_557 = tpu.transpose %slice3A_556, [1, 0] : vector<116x116xf32> -> vector<116x116xf32>
    %gt3A_558 = arith.constant 0.000000e+00 : f32
    %gt3A_559 = vector.broadcast %gt3A_558 : f32 to vector<116x116xf32>
    %gt3A_560 = arith.cmpf ogt, %transpose3A_557, %gt3A_559 : vector<116x116xf32>
    %jit3A_561 = arith.constant -1.000000e+30 : f32
    %broadcast_in_dim3A_562 = vector.shape_cast %dot_general3A_211 : vector<116x1xf32> to vector<116x1xf32>
    %broadcast_in_dim3A_563 = vector.broadcast %broadcast_in_dim3A_562 : vector<116x1xf32> to vector<116x116xf32>
    %broadcast_in_dim3A_564 = vector.broadcast %jit3A_561 : f32 to vector<116x116xf32>
    %select_n3A_565 = arith.select %gt3A_560, %broadcast_in_dim3A_563, %broadcast_in_dim3A_564 : vector<116x116xi1>, vector<116x116xf32>
    %reduce_max3A_566 = arith.constant dense<0xFF800000> : vector<116xf32>
    %reduce_max3A_567 = vector.multi_reduction <maximumf>, %select_n3A_565, %reduce_max3A_566 [0] : vector<116x116xf32> to vector<116xf32>
    %broadcast_in_dim3A_568 = vector.shape_cast %reduce_max3A_567 : vector<116xf32> to vector<1x116xf32>
    %gt3A_569 = arith.constant -5.000000e+29 : f32
    %gt3A_570 = vector.broadcast %gt3A_569 : f32 to vector<1x116xf32>
    %gt3A_571 = arith.cmpf ogt, %broadcast_in_dim3A_568, %gt3A_570 : vector<1x116xf32>
    %jit3A_572 = arith.constant 0.000000e+00 : f32
    %broadcast_in_dim3A_573 = vector.broadcast %jit3A_572 : f32 to vector<1x116xf32>
    %select_n3A_574 = arith.select %gt3A_571, %broadcast_in_dim3A_568, %broadcast_in_dim3A_573 : vector<1x116xi1>, vector<1x116xf32>
    %sub3A_575 = vector.broadcast %dot_general3A_211 : vector<116x1xf32> to vector<116x116xf32>
    %sub3A_576 = vector.broadcast %select_n3A_574 : vector<1x116xf32> to vector<116x116xf32>
    %sub3A_577 = arith.subf %sub3A_575, %sub3A_576 : vector<116x116xf32>
    %exp3A_578 = math.exp %sub3A_577 : vector<116x116xf32>
    %mul3A_579 = arith.mulf %transpose3A_557, %exp3A_578 : vector<116x116xf32>
    %jit3A_580 = arith.constant 0.000000e+00 : f32
    %broadcast_in_dim3A_581 = vector.broadcast %jit3A_580 : f32 to vector<116x116xf32>
    %select_n3A_582 = arith.select %gt3A_560, %mul3A_579, %broadcast_in_dim3A_581 : vector<116x116xi1>, vector<116x116xf32>
    %reduce_sum3A_583 = arith.constant dense<0.000000e+00> : vector<116xf32>
    %reduce_sum3A_584 = vector.multi_reduction <add>, %select_n3A_582, %reduce_sum3A_583 [0] : vector<116x116xf32> to vector<116xf32>
    %broadcast_in_dim3A_585 = vector.shape_cast %reduce_sum3A_584 : vector<116xf32> to vector<1x116xf32>
    %dot_general3A_586 = arith.constant dense<0.000000e+00> : vector<16x116xf32>
    %dot_general3A_587 = tpu.matmul %mul3A_206, %select_n3A_582, %dot_general3A_586 {dimension_numbers = #tpu.dot_dimension_numbers<[1], [0], [0], [1], [0, 0, 1, 1], [], []>, transpose_lhs_hint = false} : vector<16x116xf32>, vector<116x116xf32>, vector<16x116xf32> -> vector<16x116xf32>
    %add3A_588 = arith.constant 9.99999971E-10 : f32
    %add3A_589 = vector.broadcast %add3A_588 : f32 to vector<1x116xf32>
    %add3A_590 = arith.addf %broadcast_in_dim3A_585, %add3A_589 : vector<1x116xf32>
    %div3A_591 = vector.broadcast %add3A_590 : vector<1x116xf32> to vector<16x116xf32>
    %div3A_592 = arith.divf %dot_general3A_587, %div3A_591 : vector<16x116xf32>
    %get3A_593 = arith.constant 3 : index
    %get3A_594 = arith.constant 0 : index
    %get3A_595 = arith.constant 0 : index
    %get3A_596 = vector.load %arg1[%get3A_593, %get3A_594, %get3A_595] : memref<4x116x768xf32, #tpu.memory_space<vmem>>, vector<1x116x768xf32>
    %get3A_597 = vector.shape_cast %get3A_596 : vector<1x116x768xf32> to vector<116x768xf32>
    %get3A_598 = arith.constant 0 : index
    %get3A_599 = arith.constant 0 : index
    %get3A_600 = vector.load %arg7[%get3A_598, %get3A_599] : memref<784x1xf32, #tpu.memory_space<vmem>>, vector<16x1xf32>
    %dot_general3A_601 = arith.constant dense<0.000000e+00> : vector<116x1xf32>
    %dot_general3A_602 = tpu.matmul %div3A_592, %get3A_600, %dot_general3A_601 {dimension_numbers = #tpu.dot_dimension_numbers<[0], [0], [1], [1], [0, 1, 1, 1], [], []>, transpose_lhs_hint = false} : vector<16x116xf32>, vector<16x1xf32>, vector<116x1xf32> -> vector<116x1xf32>
    %get3A_603 = arith.constant 16 : index
    %get3A_604 = arith.constant 0 : index
    %get3A_605 = vector.load %arg7[%get3A_603, %get3A_604] : memref<784x1xf32, #tpu.memory_space<vmem>>, vector<768x1xf32>
    %dot_general3A_606 = arith.constant dense<0.000000e+00> : vector<116x1xf32>
    %dot_general3A_607 = tpu.matmul %get3A_597, %get3A_605, %dot_general3A_606 {dimension_numbers = #tpu.dot_dimension_numbers<[1], [0], [0], [1], [0, 0, 1, 1], [], []>, transpose_lhs_hint = false} : vector<116x768xf32>, vector<768x1xf32>, vector<116x1xf32> -> vector<116x1xf32>
    %add3A_608 = arith.addf %dot_general3A_602, %dot_general3A_607 : vector<116x1xf32>
    %gt3A_609 = arith.constant 0.000000e+00 : f32
    %gt3A_610 = vector.broadcast %gt3A_609 : f32 to vector<116x116xf32>
    %gt3A_611 = arith.cmpf ogt, %slice3A_556, %gt3A_610 : vector<116x116xf32>
    %jit3A_612 = arith.constant -1.000000e+30 : f32
    %broadcast_in_dim3A_613 = vector.shape_cast %add3A_608 : vector<116x1xf32> to vector<116x1xf32>
    %broadcast_in_dim3A_614 = vector.broadcast %broadcast_in_dim3A_613 : vector<116x1xf32> to vector<116x116xf32>
    %broadcast_in_dim3A_615 = vector.broadcast %jit3A_612 : f32 to vector<116x116xf32>
    %select_n3A_616 = arith.select %gt3A_611, %broadcast_in_dim3A_614, %broadcast_in_dim3A_615 : vector<116x116xi1>, vector<116x116xf32>
    %reduce_max3A_617 = arith.constant dense<0xFF800000> : vector<116xf32>
    %reduce_max3A_618 = vector.multi_reduction <maximumf>, %select_n3A_616, %reduce_max3A_617 [0] : vector<116x116xf32> to vector<116xf32>
    %broadcast_in_dim3A_619 = vector.shape_cast %reduce_max3A_618 : vector<116xf32> to vector<1x116xf32>
    %gt3A_620 = arith.constant -5.000000e+29 : f32
    %gt3A_621 = vector.broadcast %gt3A_620 : f32 to vector<1x116xf32>
    %gt3A_622 = arith.cmpf ogt, %broadcast_in_dim3A_619, %gt3A_621 : vector<1x116xf32>
    %jit3A_623 = arith.constant 0.000000e+00 : f32
    %broadcast_in_dim3A_624 = vector.broadcast %jit3A_623 : f32 to vector<1x116xf32>
    %select_n3A_625 = arith.select %gt3A_622, %broadcast_in_dim3A_619, %broadcast_in_dim3A_624 : vector<1x116xi1>, vector<1x116xf32>
    %sub3A_626 = vector.broadcast %add3A_608 : vector<116x1xf32> to vector<116x116xf32>
    %sub3A_627 = vector.broadcast %select_n3A_625 : vector<1x116xf32> to vector<116x116xf32>
    %sub3A_628 = arith.subf %sub3A_626, %sub3A_627 : vector<116x116xf32>
    %exp3A_629 = math.exp %sub3A_628 : vector<116x116xf32>
    %mul3A_630 = arith.mulf %slice3A_556, %exp3A_629 : vector<116x116xf32>
    %jit3A_631 = arith.constant 0.000000e+00 : f32
    %broadcast_in_dim3A_632 = vector.broadcast %jit3A_631 : f32 to vector<116x116xf32>
    %select_n3A_633 = arith.select %gt3A_611, %mul3A_630, %broadcast_in_dim3A_632 : vector<116x116xi1>, vector<116x116xf32>
    %reduce_sum3A_634 = arith.constant dense<0.000000e+00> : vector<116xf32>
    %reduce_sum3A_635 = vector.multi_reduction <add>, %select_n3A_633, %reduce_sum3A_634 [0] : vector<116x116xf32> to vector<116xf32>
    %broadcast_in_dim3A_636 = vector.shape_cast %reduce_sum3A_635 : vector<116xf32> to vector<1x116xf32>
    %dot_general3A_637 = arith.constant dense<0.000000e+00> : vector<64x116xf32>
    %dot_general3A_638 = tpu.matmul %dot_general3A_219, %div3A_592, %dot_general3A_637 {dimension_numbers = #tpu.dot_dimension_numbers<[1], [0], [0], [1], [0, 0, 1, 1], [], []>, transpose_lhs_hint = false} : vector<64x16xf32>, vector<16x116xf32>, vector<64x116xf32> -> vector<64x116xf32>
    %dot_general3A_639 = arith.constant dense<0.000000e+00> : vector<64x116xf32>
    %dot_general3A_640 = tpu.matmul %dot_general3A_227, %get3A_597, %dot_general3A_639 {dimension_numbers = #tpu.dot_dimension_numbers<[1], [1], [0], [0], [0, 0, 1, 0], [], []>, transpose_lhs_hint = false} : vector<64x768xf32>, vector<116x768xf32>, vector<64x116xf32> -> vector<64x116xf32>
    %add3A_641 = arith.addf %dot_general3A_638, %dot_general3A_640 : vector<64x116xf32>
    %dot_general3A_642 = arith.constant dense<0.000000e+00> : vector<64x116xf32>
    %dot_general3A_643 = tpu.matmul %add3A_641, %select_n3A_633, %dot_general3A_642 {dimension_numbers = #tpu.dot_dimension_numbers<[1], [0], [0], [1], [0, 0, 1, 1], [], []>, transpose_lhs_hint = false} : vector<64x116xf32>, vector<116x116xf32>, vector<64x116xf32> -> vector<64x116xf32>
    %add3A_644 = arith.constant 9.99999971E-10 : f32
    %add3A_645 = vector.broadcast %add3A_644 : f32 to vector<1x116xf32>
    %add3A_646 = arith.addf %broadcast_in_dim3A_636, %add3A_645 : vector<1x116xf32>
    %div3A_647 = vector.broadcast %add3A_646 : vector<1x116xf32> to vector<64x116xf32>
    %div3A_648 = arith.divf %dot_general3A_643, %div3A_647 : vector<64x116xf32>
    %gt3A_649 = arith.constant 0.000000e+00 : f32
    %gt3A_650 = vector.broadcast %gt3A_649 : f32 to vector<1x116xf32>
    %gt3A_651 = arith.cmpf ogt, %broadcast_in_dim3A_636, %gt3A_650 : vector<1x116xf32>
    %add3A_652 = vector.broadcast %dot_general3A_235 : vector<64x1xf32> to vector<64x116xf32>
    %add3A_653 = arith.addf %div3A_648, %add3A_652 : vector<64x116xf32>
    %jit3A_654 = arith.constant 0.000000e+00 : f32
    %broadcast_in_dim3A_655 = vector.shape_cast %gt3A_651 : vector<1x116xi1> to vector<1x116xi1>
    %broadcast_in_dim3A_656 = vector.broadcast %broadcast_in_dim3A_655 : vector<1x116xi1> to vector<64x116xi1>
    %broadcast_in_dim3A_657 = vector.broadcast %jit3A_654 : f32 to vector<64x116xf32>
    %select_n3A_658 = arith.select %broadcast_in_dim3A_656, %add3A_653, %broadcast_in_dim3A_657 : vector<64x116xi1>, vector<64x116xf32>
    %broadcast_in_dim3A_659 = arith.constant 0.000000e+00 : f32
    %broadcast_in_dim3A_660 = vector.broadcast %broadcast_in_dim3A_659 : f32 to vector<16x116xf32>
    %broadcast_in_dim3A_661 = arith.constant 0.000000e+00 : f32
    %broadcast_in_dim3A_662 = vector.broadcast %broadcast_in_dim3A_661 : f32 to vector<16x116xf32>
    %get3A_663 = arith.constant 0 : index
    %get3A_664 = arith.constant 0 : index
    %get3A_665 = vector.load %arg11[%get3A_663, %get3A_664] : memref<64x16xf32, #tpu.memory_space<vmem>>, vector<64x16xf32>
    %dot_general3A_666 = arith.constant dense<0.000000e+00> : vector<64x116xf32>
    %dot_general3A_667 = tpu.matmul %get3A_665, %broadcast_in_dim3A_660, %dot_general3A_666 {dimension_numbers = #tpu.dot_dimension_numbers<[1], [0], [0], [1], [0, 0, 1, 1], [], []>, transpose_lhs_hint = false} : vector<64x16xf32>, vector<16x116xf32>, vector<64x116xf32> -> vector<64x116xf32>
    %add3A_668 = arith.addf %select_n3A_334, %dot_general3A_667 : vector<64x116xf32>
    %get3A_669 = arith.constant 0 : index
    %get3A_670 = arith.constant 0 : index
    %get3A_671 = vector.load %arg12[%get3A_669, %get3A_670] : memref<64x1xf32, #tpu.memory_space<vmem>>, vector<64x1xf32>
    %add3A_672 = vector.broadcast %get3A_671 : vector<64x1xf32> to vector<64x116xf32>
    %add3A_673 = arith.addf %add3A_668, %add3A_672 : vector<64x116xf32>
    %slice3A_674 = vector.extract_strided_slice %add3A_673 {offsets = [0, 0], sizes = [16, 116], strides = [1, 1]} : vector<64x116xf32> to vector<16x116xf32>
    %logistic3A_675 = arith.negf %slice3A_674 : vector<16x116xf32>
    %logistic3A_676 = math.exp %logistic3A_675 : vector<16x116xf32>
    %logistic3A_677 = arith.constant 1.000000e+00 : f32
    %logistic3A_678 = vector.broadcast %logistic3A_677 : f32 to vector<16x116xf32>
    %logistic3A_679 = arith.addf %logistic3A_678, %logistic3A_676 : vector<16x116xf32>
    %logistic3A_680 = arith.divf %logistic3A_678, %logistic3A_679 : vector<16x116xf32>
    %slice3A_681 = vector.extract_strided_slice %add3A_673 {offsets = [16, 0], sizes = [16, 116], strides = [1, 1]} : vector<64x116xf32> to vector<16x116xf32>
    %logistic3A_682 = arith.negf %slice3A_681 : vector<16x116xf32>
    %logistic3A_683 = math.exp %logistic3A_682 : vector<16x116xf32>
    %logistic3A_684 = arith.constant 1.000000e+00 : f32
    %logistic3A_685 = vector.broadcast %logistic3A_684 : f32 to vector<16x116xf32>
    %logistic3A_686 = arith.addf %logistic3A_685, %logistic3A_683 : vector<16x116xf32>
    %logistic3A_687 = arith.divf %logistic3A_685, %logistic3A_686 : vector<16x116xf32>
    %slice3A_688 = vector.extract_strided_slice %add3A_673 {offsets = [32, 0], sizes = [16, 116], strides = [1, 1]} : vector<64x116xf32> to vector<16x116xf32>
    %tanh3A_689 = math.tanh %slice3A_688 : vector<16x116xf32>
    %slice3A_690 = vector.extract_strided_slice %add3A_673 {offsets = [48, 0], sizes = [16, 116], strides = [1, 1]} : vector<64x116xf32> to vector<16x116xf32>
    %logistic3A_691 = arith.negf %slice3A_690 : vector<16x116xf32>
    %logistic3A_692 = math.exp %logistic3A_691 : vector<16x116xf32>
    %logistic3A_693 = arith.constant 1.000000e+00 : f32
    %logistic3A_694 = vector.broadcast %logistic3A_693 : f32 to vector<16x116xf32>
    %logistic3A_695 = arith.addf %logistic3A_694, %logistic3A_692 : vector<16x116xf32>
    %logistic3A_696 = arith.divf %logistic3A_694, %logistic3A_695 : vector<16x116xf32>
    %mul3A_697 = arith.mulf %logistic3A_687, %broadcast_in_dim3A_662 : vector<16x116xf32>
    %mul3A_698 = arith.mulf %logistic3A_680, %tanh3A_689 : vector<16x116xf32>
    %add3A_699 = arith.addf %mul3A_697, %mul3A_698 : vector<16x116xf32>
    %tanh3A_700 = math.tanh %add3A_699 : vector<16x116xf32>
    %mul3A_701 = arith.mulf %logistic3A_696, %tanh3A_700 : vector<16x116xf32>
    %add3A_702 = arith.addf %mul3A_701, %mul3A_44 : vector<16x116xf32>
    %get3A_703 = arith.constant 0 : index
    %get3A_704 = arith.constant 0 : index
    %get3A_705 = vector.load %arg11[%get3A_703, %get3A_704] : memref<64x16xf32, #tpu.memory_space<vmem>>, vector<64x16xf32>
    %dot_general3A_706 = arith.constant dense<0.000000e+00> : vector<64x116xf32>
    %dot_general3A_707 = tpu.matmul %get3A_705, %mul3A_701, %dot_general3A_706 {dimension_numbers = #tpu.dot_dimension_numbers<[1], [0], [0], [1], [0, 0, 1, 1], [], []>, transpose_lhs_hint = false} : vector<64x16xf32>, vector<16x116xf32>, vector<64x116xf32> -> vector<64x116xf32>
    %add3A_708 = arith.addf %select_n3A_442, %dot_general3A_707 : vector<64x116xf32>
    %get3A_709 = arith.constant 0 : index
    %get3A_710 = arith.constant 0 : index
    %get3A_711 = vector.load %arg12[%get3A_709, %get3A_710] : memref<64x1xf32, #tpu.memory_space<vmem>>, vector<64x1xf32>
    %add3A_712 = vector.broadcast %get3A_711 : vector<64x1xf32> to vector<64x116xf32>
    %add3A_713 = arith.addf %add3A_708, %add3A_712 : vector<64x116xf32>
    %slice3A_714 = vector.extract_strided_slice %add3A_713 {offsets = [0, 0], sizes = [16, 116], strides = [1, 1]} : vector<64x116xf32> to vector<16x116xf32>
    %logistic3A_715 = arith.negf %slice3A_714 : vector<16x116xf32>
    %logistic3A_716 = math.exp %logistic3A_715 : vector<16x116xf32>
    %logistic3A_717 = arith.constant 1.000000e+00 : f32
    %logistic3A_718 = vector.broadcast %logistic3A_717 : f32 to vector<16x116xf32>
    %logistic3A_719 = arith.addf %logistic3A_718, %logistic3A_716 : vector<16x116xf32>
    %logistic3A_720 = arith.divf %logistic3A_718, %logistic3A_719 : vector<16x116xf32>
    %slice3A_721 = vector.extract_strided_slice %add3A_713 {offsets = [16, 0], sizes = [16, 116], strides = [1, 1]} : vector<64x116xf32> to vector<16x116xf32>
    %logistic3A_722 = arith.negf %slice3A_721 : vector<16x116xf32>
    %logistic3A_723 = math.exp %logistic3A_722 : vector<16x116xf32>
    %logistic3A_724 = arith.constant 1.000000e+00 : f32
    %logistic3A_725 = vector.broadcast %logistic3A_724 : f32 to vector<16x116xf32>
    %logistic3A_726 = arith.addf %logistic3A_725, %logistic3A_723 : vector<16x116xf32>
    %logistic3A_727 = arith.divf %logistic3A_725, %logistic3A_726 : vector<16x116xf32>
    %slice3A_728 = vector.extract_strided_slice %add3A_713 {offsets = [32, 0], sizes = [16, 116], strides = [1, 1]} : vector<64x116xf32> to vector<16x116xf32>
    %tanh3A_729 = math.tanh %slice3A_728 : vector<16x116xf32>
    %slice3A_730 = vector.extract_strided_slice %add3A_713 {offsets = [48, 0], sizes = [16, 116], strides = [1, 1]} : vector<64x116xf32> to vector<16x116xf32>
    %logistic3A_731 = arith.negf %slice3A_730 : vector<16x116xf32>
    %logistic3A_732 = math.exp %logistic3A_731 : vector<16x116xf32>
    %logistic3A_733 = arith.constant 1.000000e+00 : f32
    %logistic3A_734 = vector.broadcast %logistic3A_733 : f32 to vector<16x116xf32>
    %logistic3A_735 = arith.addf %logistic3A_734, %logistic3A_732 : vector<16x116xf32>
    %logistic3A_736 = arith.divf %logistic3A_734, %logistic3A_735 : vector<16x116xf32>
    %mul3A_737 = arith.mulf %logistic3A_727, %add3A_699 : vector<16x116xf32>
    %mul3A_738 = arith.mulf %logistic3A_720, %tanh3A_729 : vector<16x116xf32>
    %add3A_739 = arith.addf %mul3A_737, %mul3A_738 : vector<16x116xf32>
    %tanh3A_740 = math.tanh %add3A_739 : vector<16x116xf32>
    %mul3A_741 = arith.mulf %logistic3A_736, %tanh3A_740 : vector<16x116xf32>
    %add3A_742 = arith.addf %mul3A_741, %mul3A_98 : vector<16x116xf32>
    %get3A_743 = arith.constant 0 : index
    %get3A_744 = arith.constant 0 : index
    %get3A_745 = vector.load %arg11[%get3A_743, %get3A_744] : memref<64x16xf32, #tpu.memory_space<vmem>>, vector<64x16xf32>
    %dot_general3A_746 = arith.constant dense<0.000000e+00> : vector<64x116xf32>
    %dot_general3A_747 = tpu.matmul %get3A_745, %mul3A_741, %dot_general3A_746 {dimension_numbers = #tpu.dot_dimension_numbers<[1], [0], [0], [1], [0, 0, 1, 1], [], []>, transpose_lhs_hint = false} : vector<64x16xf32>, vector<16x116xf32>, vector<64x116xf32> -> vector<64x116xf32>
    %add3A_748 = arith.addf %select_n3A_550, %dot_general3A_747 : vector<64x116xf32>
    %get3A_749 = arith.constant 0 : index
    %get3A_750 = arith.constant 0 : index
    %get3A_751 = vector.load %arg12[%get3A_749, %get3A_750] : memref<64x1xf32, #tpu.memory_space<vmem>>, vector<64x1xf32>
    %add3A_752 = vector.broadcast %get3A_751 : vector<64x1xf32> to vector<64x116xf32>
    %add3A_753 = arith.addf %add3A_748, %add3A_752 : vector<64x116xf32>
    %slice3A_754 = vector.extract_strided_slice %add3A_753 {offsets = [0, 0], sizes = [16, 116], strides = [1, 1]} : vector<64x116xf32> to vector<16x116xf32>
    %logistic3A_755 = arith.negf %slice3A_754 : vector<16x116xf32>
    %logistic3A_756 = math.exp %logistic3A_755 : vector<16x116xf32>
    %logistic3A_757 = arith.constant 1.000000e+00 : f32
    %logistic3A_758 = vector.broadcast %logistic3A_757 : f32 to vector<16x116xf32>
    %logistic3A_759 = arith.addf %logistic3A_758, %logistic3A_756 : vector<16x116xf32>
    %logistic3A_760 = arith.divf %logistic3A_758, %logistic3A_759 : vector<16x116xf32>
    %slice3A_761 = vector.extract_strided_slice %add3A_753 {offsets = [16, 0], sizes = [16, 116], strides = [1, 1]} : vector<64x116xf32> to vector<16x116xf32>
    %logistic3A_762 = arith.negf %slice3A_761 : vector<16x116xf32>
    %logistic3A_763 = math.exp %logistic3A_762 : vector<16x116xf32>
    %logistic3A_764 = arith.constant 1.000000e+00 : f32
    %logistic3A_765 = vector.broadcast %logistic3A_764 : f32 to vector<16x116xf32>
    %logistic3A_766 = arith.addf %logistic3A_765, %logistic3A_763 : vector<16x116xf32>
    %logistic3A_767 = arith.divf %logistic3A_765, %logistic3A_766 : vector<16x116xf32>
    %slice3A_768 = vector.extract_strided_slice %add3A_753 {offsets = [32, 0], sizes = [16, 116], strides = [1, 1]} : vector<64x116xf32> to vector<16x116xf32>
    %tanh3A_769 = math.tanh %slice3A_768 : vector<16x116xf32>
    %slice3A_770 = vector.extract_strided_slice %add3A_753 {offsets = [48, 0], sizes = [16, 116], strides = [1, 1]} : vector<64x116xf32> to vector<16x116xf32>
    %logistic3A_771 = arith.negf %slice3A_770 : vector<16x116xf32>
    %logistic3A_772 = math.exp %logistic3A_771 : vector<16x116xf32>
    %logistic3A_773 = arith.constant 1.000000e+00 : f32
    %logistic3A_774 = vector.broadcast %logistic3A_773 : f32 to vector<16x116xf32>
    %logistic3A_775 = arith.addf %logistic3A_774, %logistic3A_772 : vector<16x116xf32>
    %logistic3A_776 = arith.divf %logistic3A_774, %logistic3A_775 : vector<16x116xf32>
    %mul3A_777 = arith.mulf %logistic3A_767, %add3A_739 : vector<16x116xf32>
    %mul3A_778 = arith.mulf %logistic3A_760, %tanh3A_769 : vector<16x116xf32>
    %add3A_779 = arith.addf %mul3A_777, %mul3A_778 : vector<16x116xf32>
    %tanh3A_780 = math.tanh %add3A_779 : vector<16x116xf32>
    %mul3A_781 = arith.mulf %logistic3A_776, %tanh3A_780 : vector<16x116xf32>
    %add3A_782 = arith.addf %mul3A_781, %mul3A_152 : vector<16x116xf32>
    %get3A_783 = arith.constant 0 : index
    %get3A_784 = arith.constant 0 : index
    %get3A_785 = vector.load %arg11[%get3A_783, %get3A_784] : memref<64x16xf32, #tpu.memory_space<vmem>>, vector<64x16xf32>
    %dot_general3A_786 = arith.constant dense<0.000000e+00> : vector<64x116xf32>
    %dot_general3A_787 = tpu.matmul %get3A_785, %mul3A_781, %dot_general3A_786 {dimension_numbers = #tpu.dot_dimension_numbers<[1], [0], [0], [1], [0, 0, 1, 1], [], []>, transpose_lhs_hint = false} : vector<64x16xf32>, vector<16x116xf32>, vector<64x116xf32> -> vector<64x116xf32>
    %add3A_788 = arith.addf %select_n3A_658, %dot_general3A_787 : vector<64x116xf32>
    %get3A_789 = arith.constant 0 : index
    %get3A_790 = arith.constant 0 : index
    %get3A_791 = vector.load %arg12[%get3A_789, %get3A_790] : memref<64x1xf32, #tpu.memory_space<vmem>>, vector<64x1xf32>
    %add3A_792 = vector.broadcast %get3A_791 : vector<64x1xf32> to vector<64x116xf32>
    %add3A_793 = arith.addf %add3A_788, %add3A_792 : vector<64x116xf32>
    %slice3A_794 = vector.extract_strided_slice %add3A_793 {offsets = [0, 0], sizes = [16, 116], strides = [1, 1]} : vector<64x116xf32> to vector<16x116xf32>
    %logistic3A_795 = arith.negf %slice3A_794 : vector<16x116xf32>
    %logistic3A_796 = math.exp %logistic3A_795 : vector<16x116xf32>
    %logistic3A_797 = arith.constant 1.000000e+00 : f32
    %logistic3A_798 = vector.broadcast %logistic3A_797 : f32 to vector<16x116xf32>
    %logistic3A_799 = arith.addf %logistic3A_798, %logistic3A_796 : vector<16x116xf32>
    %logistic3A_800 = arith.divf %logistic3A_798, %logistic3A_799 : vector<16x116xf32>
    %slice3A_801 = vector.extract_strided_slice %add3A_793 {offsets = [16, 0], sizes = [16, 116], strides = [1, 1]} : vector<64x116xf32> to vector<16x116xf32>
    %logistic3A_802 = arith.negf %slice3A_801 : vector<16x116xf32>
    %logistic3A_803 = math.exp %logistic3A_802 : vector<16x116xf32>
    %logistic3A_804 = arith.constant 1.000000e+00 : f32
    %logistic3A_805 = vector.broadcast %logistic3A_804 : f32 to vector<16x116xf32>
    %logistic3A_806 = arith.addf %logistic3A_805, %logistic3A_803 : vector<16x116xf32>
    %logistic3A_807 = arith.divf %logistic3A_805, %logistic3A_806 : vector<16x116xf32>
    %slice3A_808 = vector.extract_strided_slice %add3A_793 {offsets = [32, 0], sizes = [16, 116], strides = [1, 1]} : vector<64x116xf32> to vector<16x116xf32>
    %tanh3A_809 = math.tanh %slice3A_808 : vector<16x116xf32>
    %slice3A_810 = vector.extract_strided_slice %add3A_793 {offsets = [48, 0], sizes = [16, 116], strides = [1, 1]} : vector<64x116xf32> to vector<16x116xf32>
    %logistic3A_811 = arith.negf %slice3A_810 : vector<16x116xf32>
    %logistic3A_812 = math.exp %logistic3A_811 : vector<16x116xf32>
    %logistic3A_813 = arith.constant 1.000000e+00 : f32
    %logistic3A_814 = vector.broadcast %logistic3A_813 : f32 to vector<16x116xf32>
    %logistic3A_815 = arith.addf %logistic3A_814, %logistic3A_812 : vector<16x116xf32>
    %logistic3A_816 = arith.divf %logistic3A_814, %logistic3A_815 : vector<16x116xf32>
    %mul3A_817 = arith.mulf %logistic3A_807, %add3A_779 : vector<16x116xf32>
    %mul3A_818 = arith.mulf %logistic3A_800, %tanh3A_809 : vector<16x116xf32>
    %add3A_819 = arith.addf %mul3A_817, %mul3A_818 : vector<16x116xf32>
    %tanh3A_820 = math.tanh %add3A_819 : vector<16x116xf32>
    %mul3A_821 = arith.mulf %logistic3A_816, %tanh3A_820 : vector<16x116xf32>
    %add3A_822 = arith.addf %mul3A_821, %mul3A_206 : vector<16x116xf32>
    %get3A_823 = arith.constant 0 : index
    %get3A_824 = arith.constant 0 : index
    %get3A_825 = vector.load %arg13[%get3A_823, %get3A_824] : memref<16x16xf32, #tpu.memory_space<vmem>>, vector<16x16xf32>
    %dot_general3A_826 = arith.constant dense<0.000000e+00> : vector<16x116xf32>
    %dot_general3A_827 = tpu.matmul %get3A_825, %add3A_822, %dot_general3A_826 {dimension_numbers = #tpu.dot_dimension_numbers<[1], [0], [0], [1], [0, 0, 1, 1], [], []>, transpose_lhs_hint = false} : vector<16x16xf32>, vector<16x116xf32>, vector<16x116xf32> -> vector<16x116xf32>
    %mul3A_828 = arith.mulf %dot_general3A_827, %add3A_702 : vector<16x116xf32>
    %reduce_sum3A_829 = arith.constant dense<0.000000e+00> : vector<116xf32>
    %reduce_sum3A_830 = vector.multi_reduction <add>, %mul3A_828, %reduce_sum3A_829 [0] : vector<16x116xf32> to vector<116xf32>
    %broadcast_in_dim3A_831 = vector.shape_cast %reduce_sum3A_830 : vector<116xf32> to vector<1x116xf32>
    %mul3A_832 = arith.mulf %dot_general3A_827, %add3A_742 : vector<16x116xf32>
    %reduce_sum3A_833 = arith.constant dense<0.000000e+00> : vector<116xf32>
    %reduce_sum3A_834 = vector.multi_reduction <add>, %mul3A_832, %reduce_sum3A_833 [0] : vector<16x116xf32> to vector<116xf32>
    %broadcast_in_dim3A_835 = vector.shape_cast %reduce_sum3A_834 : vector<116xf32> to vector<1x116xf32>
    %mul3A_836 = arith.mulf %dot_general3A_827, %add3A_782 : vector<16x116xf32>
    %reduce_sum3A_837 = arith.constant dense<0.000000e+00> : vector<116xf32>
    %reduce_sum3A_838 = vector.multi_reduction <add>, %mul3A_836, %reduce_sum3A_837 [0] : vector<16x116xf32> to vector<116xf32>
    %broadcast_in_dim3A_839 = vector.shape_cast %reduce_sum3A_838 : vector<116xf32> to vector<1x116xf32>
    %mul3A_840 = arith.mulf %dot_general3A_827, %add3A_822 : vector<16x116xf32>
    %reduce_sum3A_841 = arith.constant dense<0.000000e+00> : vector<116xf32>
    %reduce_sum3A_842 = vector.multi_reduction <add>, %mul3A_840, %reduce_sum3A_841 [0] : vector<16x116xf32> to vector<116xf32>
    %broadcast_in_dim3A_843 = vector.shape_cast %reduce_sum3A_842 : vector<116xf32> to vector<1x116xf32>
    %max3A = arith.maximumf %broadcast_in_dim3A_831, %broadcast_in_dim3A_835 : vector<1x116xf32>
    %max3A_844 = arith.maximumf %max3A, %broadcast_in_dim3A_839 : vector<1x116xf32>
    %max3A_845 = arith.maximumf %max3A_844, %broadcast_in_dim3A_843 : vector<1x116xf32>
    %sub3A_846 = arith.subf %broadcast_in_dim3A_831, %max3A_845 : vector<1x116xf32>
    %exp3A_847 = math.exp %sub3A_846 : vector<1x116xf32>
    %sub3A_848 = arith.subf %broadcast_in_dim3A_835, %max3A_845 : vector<1x116xf32>
    %exp3A_849 = math.exp %sub3A_848 : vector<1x116xf32>
    %sub3A_850 = arith.subf %broadcast_in_dim3A_839, %max3A_845 : vector<1x116xf32>
    %exp3A_851 = math.exp %sub3A_850 : vector<1x116xf32>
    %sub3A_852 = arith.subf %broadcast_in_dim3A_843, %max3A_845 : vector<1x116xf32>
    %exp3A_853 = math.exp %sub3A_852 : vector<1x116xf32>
    %add3A_854 = arith.addf %exp3A_847, %exp3A_849 : vector<1x116xf32>
    %add3A_855 = arith.addf %add3A_854, %exp3A_851 : vector<1x116xf32>
    %add3A_856 = arith.addf %add3A_855, %exp3A_853 : vector<1x116xf32>
    %mul3A_857 = vector.broadcast %exp3A_847 : vector<1x116xf32> to vector<16x116xf32>
    %mul3A_858 = arith.mulf %mul3A_857, %add3A_702 : vector<16x116xf32>
    %mul3A_859 = vector.broadcast %exp3A_849 : vector<1x116xf32> to vector<16x116xf32>
    %mul3A_860 = arith.mulf %mul3A_859, %add3A_742 : vector<16x116xf32>
    %add3A_861 = arith.addf %mul3A_858, %mul3A_860 : vector<16x116xf32>
    %mul3A_862 = vector.broadcast %exp3A_851 : vector<1x116xf32> to vector<16x116xf32>
    %mul3A_863 = arith.mulf %mul3A_862, %add3A_782 : vector<16x116xf32>
    %add3A_864 = arith.addf %add3A_861, %mul3A_863 : vector<16x116xf32>
    %mul3A_865 = vector.broadcast %exp3A_853 : vector<1x116xf32> to vector<16x116xf32>
    %mul3A_866 = arith.mulf %mul3A_865, %add3A_822 : vector<16x116xf32>
    %add3A_867 = arith.addf %add3A_864, %mul3A_866 : vector<16x116xf32>
    %div3A_868 = vector.broadcast %add3A_856 : vector<1x116xf32> to vector<16x116xf32>
    %div3A_869 = arith.divf %add3A_867, %div3A_868 : vector<16x116xf32>
    %concatenate3A = tpu.concatenate %div3A_869, %add3A_822 in 0 : vector<16x116xf32>, vector<16x116xf32> -> vector<32x116xf32>
    %get3A_870 = arith.constant 0 : index
    %get3A_871 = arith.constant 0 : index
    %get3A_872 = vector.load %arg14[%get3A_870, %get3A_871] : memref<16x32xf32, #tpu.memory_space<vmem>>, vector<16x32xf32>
    %dot_general3A_873 = arith.constant dense<0.000000e+00> : vector<16x116xf32>
    %dot_general3A_874 = tpu.matmul %get3A_872, %concatenate3A, %dot_general3A_873 {dimension_numbers = #tpu.dot_dimension_numbers<[1], [0], [0], [1], [0, 0, 1, 1], [], []>, transpose_lhs_hint = false} : vector<16x32xf32>, vector<32x116xf32>, vector<16x116xf32> -> vector<16x116xf32>
    %tanh3A_875 = math.tanh %dot_general3A_874 : vector<16x116xf32>
    %get3A_876 = arith.constant 0 : index
    %get3A_877 = arith.constant 0 : index
    %get3A_878 = vector.load %arg15[%get3A_876, %get3A_877] : memref<2x16xf32, #tpu.memory_space<vmem>>, vector<2x16xf32>
    %dot_general3A_879 = arith.constant dense<0.000000e+00> : vector<2x116xf32>
    %dot_general3A_880 = tpu.matmul %get3A_878, %tanh3A_875, %dot_general3A_879 {dimension_numbers = #tpu.dot_dimension_numbers<[1], [0], [0], [1], [0, 0, 1, 1], [], []>, transpose_lhs_hint = false} : vector<2x16xf32>, vector<16x116xf32>, vector<2x116xf32> -> vector<2x116xf32>
    %get3A_881 = arith.constant 0 : index
    %get3A_882 = arith.constant 0 : index
    %get3A_883 = vector.load %arg16[%get3A_881, %get3A_882] : memref<2x1xf32, #tpu.memory_space<vmem>>, vector<2x1xf32>
    %add3A_884 = vector.broadcast %get3A_883 : vector<2x1xf32> to vector<2x116xf32>
    %add3A_885 = arith.addf %dot_general3A_880, %add3A_884 : vector<2x116xf32>
    %transpose3A_886 = tpu.transpose %add3A_885, [1, 0] : vector<2x116xf32> -> vector<116x2xf32>
    %swap3A = arith.constant 0 : index
    %swap3A_887 = arith.constant 0 : index
    %swap3A_888 = vector.load %arg17[%swap3A, %swap3A_887] : memref<116x2xf32, #tpu.memory_space<vmem>>, vector<116x2xf32>
    tpu.vector_store %arg17[%swap3A, %swap3A_887], %transpose3A_886 {strides = array<i32>} : memref<116x2xf32, #tpu.memory_space<vmem>>, vector<116x2xf32>,
    return
  }
}

</mosaic_0001>

<sc_bundles>
// kernel: kernel.4.cloned.1.call-start
scs
__scs_entry_jumppad:
0x0: {  	(pc) =	sbr.rel $0x88, $3  }
0x1: {  	(tag) =	ssettag $0x0;
	lr =	simm.s32 $0x1  }
0x2: {  	[smem:$0x3F90] =	sst lr;
	_ =	strace $0xD0000000  }
0x3: {  	_ = 	snop  }
0x4: {  	_ = 	snop  }
0x5: {  	_ = 	snop  }
0x6: {  	_ = 	snop  }
0x7: {  	_ = 	snop  }
__scs_overlays_trampoline_lowered:
0x8: {  	[smem:$0x3F9F] =	sst s0  }
0x9: {  	[smem:$0x3FA0] =	sst s1  }
0xa: {  	[smem:$0x3FA1] =	sst s2  }
0xb: {  	[smem:$0x3FA2] =	sst s3  }
0xc: {  	[smem:$0x3FA3] =	sst s4  }
0xd: {  	[smem:$0x3FA4] =	sst s5  }
0xe: {  	[smem:$0x3FA5] =	sst s6  }
0xf: {  	[smem:$0x3FA6] =	sst s7  }
0x10: {  	[smem:$0x3FA7] =	sst s8  }
0x11: {  	[smem:$0x3FA8] =	sst s9;
	s0 =	simm.s32 @!p0 $0x0  }
0x12: {  	s1 =	sld [smem:$0x3F8E];
	s0 =	simm.s32 @p0 $0x1  }
0x13: {  	[smem:$0x3FA9] =	sst s0;
	s0 =	simm.s32 @!p1 $0x0  }
0x14: {  	s2 =	sld [smem:$0x3F8D];
	s0 =	simm.s32 @p1 $0x1  }
0x15: {  	[smem:$0x3FAA] =	sst s0;
	s0 =	simm.s32 @!p2 $0x0  }
0x16: {  	s3 =	sld [smem:$0x3FDB];
	s0 =	simm.s32 @p2 $0x1  }
0x17: {  	s4 =	simm.s32 $0x1BF5;
	[smem:$0x3FAC] =	sst s0  }
0x18: {  	s0 =	sld [smem:$0x3F8F];
	_ =	swait.ge [sflag:s4], $0x0  }
0x19: {  	s7 =	sld [smem:$0x3F90]  }
0x1a: {  	s8 =	sadd.s32 $0xFFFFE003, lr  }
0x1b: {  	s9 =	sadd.s32 $0xFFFFFEF7, lr;
	s5 =	simm.s32 $0xFFFFFFFF;
	p2 =	slt.u32 s8, $0xFFFFF086  }
0x1c: {  	p1 =	slt.u32 s9, $0xF7A;
	s5 =	simm.s32 @!p2 $0x0  }
0x1d: {  	s5 =	simm.s32 @p1 $0x1;
	p0 =	seq.s32 s7, s2  }
0x1e: {  	s7 =	smul.u32 @!p0 $0xF7A, s2;
	p2 =	seq.s32 @!p0 s5, $0x0  }
0x1f: {  	s9 =	smul.u32 $0xF7A, s1;
	s8 =	simm.s32 @!p0 $0x1BF5;
	p2 =	por !p2, p0  }
0x20: {  	[sflag:s8] =	ssyncset.s32 @!p0 $0xFFFFF086;
	s6 =	sadd.s32 @!p0 s3, s7;
	s7 =	simm.s32 @!p0 $0x108  }
0x21: {  	s3 =	sadd.s32 s3, s9;
	s6 =	sadd.s32 @!p0 $0x88, s6;
	s7 =	simm.s32 @p2 $0x1082  }
0x22: {  	[simem:s7], [sflag:s8] =	dma.local @!p0 [hbm:s6], $0xF7A  }
0x23: {  	s9 =	sor.u32 $0xD0000000, s2;
	s6 =	simm.s32 $0x108;
	_ =	swait.ge @!p0 [sflag:s8], $0x0  }
0x24: {  	s3 =	sadd.s32 $0x88, s3;
	s6 =	simm.s32 @!p1 $0x1082;
	[sflag:s4] =	ssyncset.s32 $0xFFFFF086  }
0x25: {  	[simem:s6], [sflag:s4] =	dma.local [hbm:s3], $0xF7A  }
0x26: {  	[smem:$0x3F90] =	sst s1;
	(tag) =	ssettag s2;
	_ =	strace s9  }
0x27: {  	s1 =	sld [smem:$0x3FA0]  }
0x28: {  	s2 =	sld [smem:$0x3FA1]  }
0x29: {  	s4 =	sld [smem:$0x3FA3]  }
0x2a: {  	p0 =	seq.s32 s5, $0x0;
	s5 =	sld [smem:$0x3FA4]  }
0x2b: {  	s6 =	sld [smem:$0x3FA5]  }
0x2c: {  	s7 =	sld [smem:$0x3FA6]  }
0x2d: {  	s3 =	simm.s32 $0x108;
	s8 =	sld [smem:$0x3FA7]  }
0x2e: {  	s3 =	simm.s32 @!p0 $0x1082;
	s9 =	sld [smem:$0x3FA8]  }
0x2f: {  	lr =	sadd.s32 s0, s3;
	s0 =	sld [smem:$0x3F9F]  }
0x30: {  	s3 =	sld [smem:$0x3FA2]  }
0x31: {  	[smem:$0x3FAB] =	sst s10  }
0x32: {  	s10 =	sld [smem:$0x3FA9];
	_ =	sdelay $0x3  }
0x33: {  	p0 =	seq.s32 s10, $0x1;
	s10 =	sld [smem:$0x3FAB];
	_ =	sdelay $0x3  }
0x34: {  	[smem:$0x3FAB] =	sst s10  }
0x35: {  	s10 =	sld [smem:$0x3FAA];
	_ =	sdelay $0x3  }
0x36: {  	p1 =	seq.s32 s10, $0x1;
	s10 =	sld [smem:$0x3FAB];
	_ =	sdelay $0x3  }
0x37: {  	[smem:$0x3FAB] =	sst s10  }
0x38: {  	s10 =	sld [smem:$0x3FAC]  }
0x39: {  	_ = 	snop;
	(pc) =	sbr.ind lr, $3  }
0x3a: {  	_ = 	snop  }
0x3b: {  	_ = 	snop  }
0x3c: {  	p2 =	seq.s32 s10, $0x1;
	s10 =	sld [smem:$0x3FAB]  }
0x3d: {  	_ =	shalt  }
0x3e: {  	_ =	shalt  }
0x3f: {  	_ =	shalt  }
0x40: {  	_ =	shalt  }
0x41: {  	_ =	shalt  }
0x42: {  	_ =	shalt  }
0x43: {  	_ =	shalt  }
0x44: {  	_ =	shalt  }
0x45: {  	_ =	shalt  }
0x46: {  	_ =	shalt  }
0x47: {  	_ =	shalt  }
0x48: {  	_ =	shalt  }
0x49: {  	_ =	shalt  }
0x4a: {  	_ =	shalt  }
0x4b: {  	_ =	shalt  }
0x4c: {  	_ =	shalt  }
0x4d: {  	_ =	shalt  }
0x4e: {  	_ =	shalt  }
0x4f: {  	_ =	shalt  }
0x50: {  	_ =	shalt  }
0x51: {  	_ =	shalt  }
0x52: {  	_ =	shalt  }
0x53: {  	_ =	shalt  }
0x54: {  	_ =	shalt  }
0x55: {  	_ =	shalt  }
0x56: {  	_ =	shalt  }
0x57: {  	_ =	shalt  }
0x58: {  	_ =	shalt  }
0x59: {  	_ =	shalt  }
0x5a: {  	_ =	shalt  }
0x5b: {  	_ =	shalt  }
0x5c: {  	_ =	shalt  }
0x5d: {  	_ =	shalt  }
0x5e: {  	_ =	shalt  }
0x5f: {  	_ =	shalt  }
0x60: {  	_ =	shalt  }
0x61: {  	_ =	shalt  }
0x62: {  	_ =	shalt  }
0x63: {  	_ =	shalt  }
0x64: {  	_ =	shalt  }
0x65: {  	_ =	shalt  }
0x66: {  	_ =	shalt  }
0x67: {  	_ =	shalt  }
0x68: {  	_ =	shalt  }
0x69: {  	_ =	shalt  }
0x6a: {  	_ =	shalt  }
0x6b: {  	_ =	shalt  }
0x6c: {  	_ =	shalt  }
0x6d: {  	_ =	shalt  }
0x6e: {  	_ =	shalt  }
0x6f: {  	_ =	shalt  }
0x70: {  	_ =	shalt  }
0x71: {  	_ =	shalt  }
0x72: {  	_ =	shalt  }
0x73: {  	_ =	shalt  }
0x74: {  	_ =	shalt  }
0x75: {  	_ =	shalt  }
0x76: {  	_ =	shalt  }
0x77: {  	_ =	shalt  }
0x78: {  	_ =	shalt  }
0x79: {  	_ =	shalt  }
0x7a: {  	_ =	shalt  }
0x7b: {  	_ =	shalt  }
0x7c: {  	_ =	shalt  }
0x7d: {  	_ =	shalt  }
0x7e: {  	_ =	shalt  }
0x7f: {  	_ =	shalt  }
0x80: {  	_ =	shalt  }
0x81: {  	_ =	shalt  }
0x82: {  	_ =	shalt  }
0x83: {  	_ =	shalt  }
0x84: {  	_ =	shalt  }
0x85: {  	_ =	shalt  }
0x86: {  	_ =	shalt  }
0x87: {  	_ =	shalt  }
.Lfunc_end0:
.L_simem_size_0:
called_computation_lowered:
.L_overlay_start_0:
0x88: {  	s2 =	sld [smem:$0x3FD9]  }
0x89: {  	s3 =	sld [smem:$0x3FFE];
	_ =	sdelay $0x1  }
0x8a: {  	s1 =	srdreg.scid  }
0x8b: {  	s0 =	sand.u32 $0x1, s1  }
0x8c: {  	s17 =	sshll.u32 s0, $0xA;
	s2 =	sadd.s32 s3, s2  }
0x8d: {  	s2 =	sadd.s32 s2, s17  }
0x8e: {  	[smem:$0x3FB7] =	sst s2  }
0x8f: {  	_ = 	snop  }
0x90: {  	s2 =	sld [smem:$0x3FC9];
	(tm) =	ssettm $0x1  }
0x91: {  	s18 =	sld [smem:$0x3FFB];
	_ =	sdelay $0x3  }
0x92: {  	_ =	strace s18  }
0x93: {  	s3 =	sld [smem:$0x3FFC];
	_ =	sdelay $0x3  }
0x94: {  	_ =	strace s3  }
0x95: {  	s3 =	sld [smem:$0x3FFD];
	_ =	sdelay $0x3  }
0x96: {  	_ =	strace s3  }
0x97: {  	_ =	strace $0x8FFFFFFF  }
0x98: {  	s19 =	sld [smem:$0x3FDB];
	_ =	sdelay $0x1  }
0x99: {  	s4 =	simm.s32 $_scs_section_size  }
0x9a: {  	s5 =	simm.s32 $_size__tile_overlayer_lowered;
	s6 =	simm.s32 $_tile_overlayer_lowered  }
0x9b: {  	s22 =	simm.s32 $0x1BFF;
	s21 =	sshll.u32 s6, $0x1;
	s3 =	sadd.s32 s4, s19  }
0x9c: {  	s7 =	simm.s32 $0x0;
	s20 =	sshll.u32 s5, $0x1;
	s5 =	sadd.s32 s21, s3  }
0x9d: {  	[timem:s7], [sflag:s22] =	dma.local [hbm:s5], s20  }
0x9e: {  	_ =	swait.ge [sflag:s22], s20  }
0x9f: {  	s4 =	ssub.s32 $0x0, s20;
	[sflag:s22] =	ssyncset.done $0x0  }
0xa0: {  	[sflag:s22] =	ssyncadd.s32 s4;
	_ =	sdelay $0x1  }
0xa1: {  	s23 =	simm.s32 $0x1B8B  }
0xa2: {  	_ =	swait.ge [sflag:s23], $0x1  }
0xa3: {  	[sflag:s23] =	ssyncset.done $0x0  }
0xa4: {  	s25 =	simm.s32 $0x1B8E;
	s24 =	sld [smem:$0x3FFE];
	[sflag:s23] =	ssyncadd.s32 $0xFFFFFFFF  }
0xa5: {  	s26 =	simm.s32 $execute0_lowered;
	[smem:$0x3FD2] =	sst s25  }
0xa6: {  	s5 =	sshll.u32 s26, $0x1;
	_ =	strace $0x80000046;
	[dreg:$0x1] =	wrdreg $0xFFFFFFFF  }
0xa7: {  	s28 =	simm.s32 $_size_execute0_lowered;
	s3 =	sadd.s32 s3, s5;
	[dreg:$0x0] =	wrdreg $0x0  }
0xa8: {  	s5 =	sshll.u32 s28, $0x1;
	[dreg:$0x2] =	wrdreg s3  }
0xa9: {  	[dreg:$0x3] =	wrdreg s5  }
0xaa: {  	[dreg:$0x4] =	wrdreg $0xC0  }
0xab: {  	_ =	task [dreg:s7], $0x5FFFF  }
0xac: {  	[dreg:$0x1] =	wrdreg $0xFFFFFFFF  }
0xad: {  	[dreg:$0x0] =	wrdreg $0x60  }
0xae: {  	[dreg:$0x2] =	wrdreg s2  }
0xaf: {  	[dreg:$0x3] =	wrdreg s24  }
0xb0: {  	[dreg:$0x4] =	wrdreg $0x9  }
0xb1: {  	_ =	task.clear_ibuf [dreg:s7], $0x5FFFF;
	_ =	strace $0x90000046  }
0xb2: {  	s29 =	simm.s32 $0x9;
	_ =	strace $0x80000048  }
0xb3: {  	_ =	swait.ge [sflag:s29], $0x1  }
0xb4: {  	[sflag:s29] =	ssyncadd.s32 $0xFFFFFFFF  }
0xb5: {  	_ =	strace $0x90000048  }
0xb6: {  	_ =	sfence  }
0xb7: {  	s30 =	sld [smem:$0x0];
	_ =	sdelay $0x2  }
0xb8: {  	s31 =	sshll.u32 s1, $0xD;
	s1 =	sshrl.u32 s1, $0x2  }
0xb9: {  	s3 =	sand.u32 $0x4000, s31;
	s1 =	sadd.s32 s1, s30  }
0xba: {  	s0 =	sor.u32 s3, s0;
	s1 =	sshll.u32 s1, $0x11  }
0xbb: {  	s0 =	sor.u32 s1, s0  }
0xbc: {  	s0 =	sadd.s32 $0x8F2B, s0  }
0xbd: {  	[sflag:s0] =	ssyncadd.remote.s32 $0x1  }
0xbe: {  	_ =	sfence.sel $0xFFFF  }
0xbf: {  	[dreg:$0x0] =	wrdreg $0xFFFFFFFF;
	(pc) =	sbr.abs _section_cstart, $3  }
0xc0: {  	[dreg:$0x1] =	wrdreg $0xFFFFFFFF  }
0xc1: {  	_ =	task.clear_ibuf [dreg:s7], $0x2FFFF;
	_ =	strace $0x9FFFFFFF  }
0xc2: {  	(tm) =	ssettm $0x7FFFFFFF  }
0xc3: {  	_ =	shalt  }
tec
execute0_lowered:
.L_overlay_start_1:
0x0: {  	(tag) =	ssettag $0x1  }
0x1: {  	s0 =	srdreg.scid;
	s3 =	rddreg [dreg:$0x0]  }
0x2: {  	s5 =	rddreg [dreg:$0x1];
	s1 =	stileid.u32;
	s8 =	simm.s32 $0x1  }
0x3: {  	s11 =	simm.s32 $0x2;
	s13 =	simm.s32 $0x400;
	s14 =	simm.s32 $0x0  }
0x4: {  	s4 =	sand.u32 $0x1, s0;
	s0 =	rddreg [dreg:$0x2];
	s7 =	sand.u32 $0x7, s1  }
0x5: {  	s10 =	sshll.u32 s1, $0x7;
	s2 =	sshll.u32 s4, $0x4;
	p1 =	sne.s32 s7, $0x0  }
0x6: {  	s10 =	sand.u32 $0x380, s10;
	s4 =	ssub.s32 $0x2, s4;
	s6 =	sor.u32 s1, s2  }
0x7: {  	s12 =	smul.u32 $0xFFFFF8C0, s7;
	s2 =	simm.s32 $0x0;
	p0 =	seq.s32 s6, $0x0  }
0x8: {  	s31 =	sshrl.u32 s4, $0x1;
	s6 =	sshrl.u32 s6, $0x3;
	p0 =	por !p1, !p0  }
0x9: {  	[smem:$0x7FF] =	sst s2;
	s9 =	smul.u32 $0x3C00, s6;
	p0 =	por !p0, !p0  }
0xa: {  	v0 =	vmov s12;
	s12 =	simm.s32 $0x1000;
	_ =	strace $0x80000047;
	s8 =	simm.s32 @!p0 $0x0  }
0xb: {  	s30 =	sor.u32 s10, s9;
	s9 =	ssub.s32 s4, s31;
	s6 =	ssub.s32 s6, s8  }
0xc: {  	s4 =	simm.s32 $0x1;
	s10 =	simm.s32 $0x800;
	s6 =	sshll.u32 s6, $0x9  }
0xd: {  	s8 =	sshrl.u32 s30, $0x3;
	s7 =	smax.u32 s9, $0x1;
	s6 =	sand.u32 $0x1FFFFE00, s6  }
0xe: {  	s9 =	simm.s32 $0x100;
	s8 =	sadd.s32 s8, s5;
	s3 =	sadd.s32 s3, s6  }
0xf: {  	v1 =	vimm.f32 $0.0e+00;
	v2 =	vimm.f32 $1.000000000e+00;
	s6 =	sadd.s32 $0x1200, s8;
	s8 =	simm.s32 $0x80;
	s5 =	sadd.s32 $0x10, s3  }
.LBB2_1:
0x10: {  	[tilespmem:s2], [sflag:$0x1] =	stream.strided.gather [hbm4b:s3+s8], $0x800, s9, s8, $0x38;
	[tilespmem:$0x1780] =	vst v63  }
0x11: {  	_ = 	snop  }
0x12: {  	[tilespmem:s10], [sflag:$0x2] =	stream.strided.gather [hbm4b:s5+s8], $0x800, s9, s8, $0x38;
	[tilespmem:$0x1780] =	vst v63  }
0x13: {  	[tilespmem:$0x1000] =	vst v1  }
0x14: {  	[tilespmem:$0x1010] =	vst v1  }
0x15: {  	[tilespmem:$0x1020] =	vst v1  }
0x16: {  	[tilespmem:$0x1030] =	vst v1  }
0x17: {  	[tilespmem:$0x1040] =	vst v1  }
0x18: {  	[tilespmem:$0x1050] =	vst v1  }
0x19: {  	[tilespmem:$0x1060] =	vst v1  }
0x1a: {  	[tilespmem:$0x1070] =	vst v1  }
0x1b: {  	[tilespmem:$0x1080] =	vst v1  }
0x1c: {  	[tilespmem:$0x1090] =	vst v1  }
0x1d: {  	[tilespmem:$0x10A0] =	vst v1  }
0x1e: {  	[tilespmem:$0x10B0] =	vst v1  }
0x1f: {  	[tilespmem:$0x10C0] =	vst v1  }
0x20: {  	[tilespmem:$0x10D0] =	vst v1  }
0x21: {  	[tilespmem:$0x10E0] =	vst v1  }
0x22: {  	[tilespmem:$0x10F0] =	vst v1  }
0x23: {  	[tilespmem:$0x1100] =	vst v1  }
0x24: {  	[tilespmem:$0x1110] =	vst v1  }
0x25: {  	[tilespmem:$0x1120] =	vst v1  }
0x26: {  	[tilespmem:$0x1130] =	vst v1  }
0x27: {  	[tilespmem:$0x1140] =	vst v1  }
0x28: {  	[tilespmem:$0x1150] =	vst v1  }
0x29: {  	[tilespmem:$0x1160] =	vst v1  }
0x2a: {  	[tilespmem:$0x1170] =	vst v1  }
0x2b: {  	[tilespmem:$0x1180] =	vst v1  }
0x2c: {  	[tilespmem:$0x1190] =	vst v1  }
0x2d: {  	[tilespmem:$0x11A0] =	vst v1  }
0x2e: {  	[tilespmem:$0x11B0] =	vst v1  }
0x2f: {  	[tilespmem:$0x11C0] =	vst v1  }
0x30: {  	[tilespmem:$0x11D0] =	vst v1  }
0x31: {  	[tilespmem:$0x11E0] =	vst v1  }
0x32: {  	[tilespmem:$0x11F0] =	vst v1  }
0x33: {  	[tilespmem:$0x1200] =	vst v1  }
0x34: {  	[tilespmem:$0x1210] =	vst v1  }
0x35: {  	[tilespmem:$0x1220] =	vst v1  }
0x36: {  	[tilespmem:$0x1230] =	vst v1  }
0x37: {  	[tilespmem:$0x1240] =	vst v1  }
0x38: {  	[tilespmem:$0x1250] =	vst v1  }
0x39: {  	[tilespmem:$0x1260] =	vst v1  }
0x3a: {  	[tilespmem:$0x1270] =	vst v1  }
0x3b: {  	[tilespmem:$0x1280] =	vst v1  }
0x3c: {  	[tilespmem:$0x1290] =	vst v1  }
0x3d: {  	[tilespmem:$0x12A0] =	vst v1  }
0x3e: {  	[tilespmem:$0x12B0] =	vst v1  }
0x3f: {  	[tilespmem:$0x12C0] =	vst v1  }
0x40: {  	[tilespmem:$0x12D0] =	vst v1  }
0x41: {  	[tilespmem:$0x12E0] =	vst v1  }
0x42: {  	[tilespmem:$0x12F0] =	vst v1  }
0x43: {  	[tilespmem:$0x1300] =	vst v1  }
0x44: {  	[tilespmem:$0x1310] =	vst v1  }
0x45: {  	[tilespmem:$0x1320] =	vst v1  }
0x46: {  	[tilespmem:$0x1330] =	vst v1  }
0x47: {  	[tilespmem:$0x1340] =	vst v1  }
0x48: {  	[tilespmem:$0x1350] =	vst v1  }
0x49: {  	[tilespmem:$0x1360] =	vst v1  }
0x4a: {  	[tilespmem:$0x1370] =	vst v1  }
0x4b: {  	[tilespmem:$0x1380] =	vst v1  }
0x4c: {  	[tilespmem:$0x1390] =	vst v1  }
0x4d: {  	[tilespmem:$0x13A0] =	vst v1  }
0x4e: {  	[tilespmem:$0x13B0] =	vst v1  }
0x4f: {  	[tilespmem:$0x13C0] =	vst v1  }
0x50: {  	[tilespmem:$0x13D0] =	vst v1  }
0x51: {  	[tilespmem:$0x13E0] =	vst v1  }
0x52: {  	[tilespmem:$0x13F0] =	vst v1  }
0x53: {  	[tilespmem:$0x1400] =	vst v1  }
0x54: {  	[tilespmem:$0x1410] =	vst v1  }
0x55: {  	[tilespmem:$0x1420] =	vst v1  }
0x56: {  	[tilespmem:$0x1430] =	vst v1  }
0x57: {  	[tilespmem:$0x1440] =	vst v1  }
0x58: {  	[tilespmem:$0x1450] =	vst v1  }
0x59: {  	[tilespmem:$0x1460] =	vst v1  }
0x5a: {  	[tilespmem:$0x1470] =	vst v1  }
0x5b: {  	[tilespmem:$0x1480] =	vst v1  }
0x5c: {  	[tilespmem:$0x1490] =	vst v1  }
0x5d: {  	[tilespmem:$0x14A0] =	vst v1  }
0x5e: {  	[tilespmem:$0x14B0] =	vst v1  }
0x5f: {  	[tilespmem:$0x14C0] =	vst v1  }
0x60: {  	[tilespmem:$0x14D0] =	vst v1  }
0x61: {  	[tilespmem:$0x14E0] =	vst v1  }
0x62: {  	[tilespmem:$0x14F0] =	vst v1  }
0x63: {  	[tilespmem:$0x1500] =	vst v1  }
0x64: {  	[tilespmem:$0x1510] =	vst v1  }
0x65: {  	[tilespmem:$0x1520] =	vst v1  }
0x66: {  	[tilespmem:$0x1530] =	vst v1  }
0x67: {  	[tilespmem:$0x1540] =	vst v1  }
0x68: {  	[tilespmem:$0x1550] =	vst v1  }
0x69: {  	[tilespmem:$0x1560] =	vst v1  }
0x6a: {  	[tilespmem:$0x1570] =	vst v1  }
0x6b: {  	[tilespmem:$0x1580] =	vst v1  }
0x6c: {  	[tilespmem:$0x1590] =	vst v1  }
0x6d: {  	[tilespmem:$0x15A0] =	vst v1  }
0x6e: {  	[tilespmem:$0x15B0] =	vst v1  }
0x6f: {  	[tilespmem:$0x15C0] =	vst v1  }
0x70: {  	[tilespmem:$0x15D0] =	vst v1  }
0x71: {  	[tilespmem:$0x15E0] =	vst v1  }
0x72: {  	[tilespmem:$0x15F0] =	vst v1  }
0x73: {  	[tilespmem:$0x1600] =	vst v1  }
0x74: {  	[tilespmem:$0x1610] =	vst v1  }
0x75: {  	[tilespmem:$0x1620] =	vst v1  }
0x76: {  	[tilespmem:$0x1630] =	vst v1  }
0x77: {  	[tilespmem:$0x1640] =	vst v1  }
0x78: {  	[tilespmem:$0x1650] =	vst v1  }
0x79: {  	[tilespmem:$0x1660] =	vst v1  }
0x7a: {  	[tilespmem:$0x1670] =	vst v1  }
0x7b: {  	[tilespmem:$0x1680] =	vst v1  }
0x7c: {  	[tilespmem:$0x1690] =	vst v1  }
0x7d: {  	[tilespmem:$0x16A0] =	vst v1  }
0x7e: {  	[tilespmem:$0x16B0] =	vst v1  }
0x7f: {  	[tilespmem:$0x16C0] =	vst v1  }
0x80: {  	[tilespmem:$0x16D0] =	vst v1  }
0x81: {  	[tilespmem:$0x16E0] =	vst v1  }
0x82: {  	[tilespmem:$0x16F0] =	vst v1  }
0x83: {  	[tilespmem:$0x1700] =	vst v1  }
0x84: {  	[tilespmem:$0x1710] =	vst v1  }
0x85: {  	[tilespmem:$0x1720] =	vst v1  }
0x86: {  	[tilespmem:$0x1730] =	vst v1  }
0x87: {  	_ =	swait.ge [sflag:s4], $0x800  }
0x88: {  	[sflag:s4] =	ssyncset.done $0x0  }
0x89: {  	[sflag:s4] =	ssyncadd.s32 $0xFFFFF800  }
0x8a: {  	_ =	swait.ge [sflag:s11], $0x800  }
0x8b: {  	s15 =	simm.s32 $0xFFFFFFFC;
	[sflag:s11] =	ssyncset.done $0x0  }
0x8c: {  	s16 =	simm.s32 $0x820;
	s17 =	simm.s32 $0x20;
	[sflag:s11] =	ssyncadd.s32 $0xFFFFF800  }
.LBB2_2:
0x8d: {  	v3 =	vld [tilespmem:s17+$0xFFFFFFE0]  }
0x8e: {  	v4 =	vld [tilespmem:s16+$0xFFFFFFE0];
	_ =	sdelay $0x4  }
0x8f: {  	v4 =	vshll.u32 v4, $0x7;
	v3 =	vadd.s32 v0, v3  }
0x90: {  	v3 =	vadd.s32 v4, v3  }
0x91: {  	vm0 =	vlt.u32 v3, $0x740;
	_ =	sdelay $0x5  }
0x92: {  	[tilespmem:v3+s12+$0x0] =	vst.idx.add.f32.msk vm0, v2  }
0x93: {  	v3 =	vld [tilespmem:s17+$0xFFFFFFF0]  }
0x94: {  	v61 =	vld [tilespmem:s16+$0xFFFFFFF0];
	_ =	sdelay $0x4  }
0x95: {  	v4 =	vshll.u32 v61, $0x7;
	v3 =	vadd.s32 v0, v3  }
0x96: {  	v3 =	vadd.s32 v4, v3  }
0x97: {  	vm13 =	vlt.u32 v3, $0x740;
	_ =	sdelay $0x5  }
0x98: {  	[tilespmem:v3+s12+$0x0] =	vst.idx.add.f32.msk vm13, v2  }
0x99: {  	v3 =	vld [tilespmem:s17+$0x0]  }
0x9a: {  	v62 =	vld [tilespmem:s16+$0x0];
	_ =	sdelay $0x4  }
0x9b: {  	v4 =	vshll.u32 v62, $0x7;
	v3 =	vadd.s32 v0, v3  }
0x9c: {  	v3 =	vadd.s32 v4, v3  }
0x9d: {  	vm14 =	vlt.u32 v3, $0x740;
	_ =	sdelay $0x5  }
0x9e: {  	[tilespmem:v3+s12+$0x0] =	vst.idx.add.f32.msk vm14, v2  }
0x9f: {  	v3 =	vld [tilespmem:s17+$0x10]  }
0xa0: {  	v63 =	vld [tilespmem:s16+$0x10];
	_ =	sdelay $0x4  }
0xa1: {  	v4 =	vshll.u32 v63, $0x7;
	v3 =	vadd.s32 v0, v3  }
0xa2: {  	v3 =	vadd.s32 v4, v3  }
0xa3: {  	s15 =	sadd.s32 $0x4, s15;
	vm15 =	vlt.u32 v3, $0x740  }
0xa4: {  	p0 =	slt.u32 s15, $0x7C  }
.Ltmp0:
0xa5: {  	_ = 	snop;
	(pc) =	sbr.rel @p0 .LBB2_2-.Ltmp0, $2  }
0xa6: {  	_ =	sdelay $0x2  }
0xa7: {  	s16 =	sadd.s32 $0x40, s16;
	s17 =	sadd.s32 $0x40, s17;
	[tilespmem:v3+s12+$0x0] =	vst.idx.add.f32.msk vm15, v2  }
0xa8: {  	s14 =	sadd.s32 $0x1, s14  }
0xa9: {  	p0 =	sne.s32 s14, s7  }
.Ltmp1:
0xaa: {  	_ = 	snop;
	(pc) =	sbr.rel @p0 .LBB2_1-.Ltmp1, $4  }
0xab: {  	[hbm4b:s6+s8] =	stream.strided.scatter [tilespmem:s12], [sflag:$0x1], $0x780, s13, s8, $0x38;
	[tilespmem:$0x1780] =	vst v63  }
0xac: {  	_ =	swait.ge [sflag:s4], $0x780  }
0xad: {  	[sflag:s4] =	ssyncset.done $0x0  }
0xae: {  	[sflag:s4] =	ssyncadd.s32 $0xFFFFF880  }
0xaf: {  	_ =	sfence.sel $0x180000  }
0xb0: {  	[bflag:$0x0] =	sbarrier.arrive $0xFFFF  }
0xb1: {  	p0 =	sne.s32 s1, $0x0;
	_ =	strace $0x90000047  }
0xb2: {  	s0 =	sadd.s32 @!p0 $0x100000, s0;
	[bflag:$0x2] =	sbarrier.arrive $0xFFFF  }
0xb3: {  	[sflag:s0] =	ssyncadd.tile.s32 @!p0 $0x1;
	_ =	shalt  }
.Lfunc_end2:
_tile_overlayer_lowered:
.L_overlay_start_2:
0xb4: {  	(tag) =	ssettag $0x2  }
0xb5: {  	s0 =	rddreg [dreg:$0x0];
	s2 =	stileid.u32  }
0xb6: {  	s1 =	rddreg [dreg:$0x1];
	p0 =	sne.s32 s2, $0x0  }
0xb7: {  	s3 =	rddreg [dreg:$0x2];
	[bflag:$0x3] =	sbarrier.arrive $0xFFFF;
	s2 =	simm.s32 @!p0 $0x1C03  }
0xb8: {  	[timem:s3], [sflag:s2] =	dma.local @!p0 [hbm:s0], s1  }
0xb9: {  	s0 =	simm.s32 @!p0 $0x3  }
0xba: {  	_ =	swait.ge @!p0 [sflag:s0], s1  }
0xbb: {  	s1 =	ssub.s32 @!p0 $0x0, s1;
	[sflag:s0] =	ssyncset.done @!p0 $0x0  }
0xbc: {  	[sflag:s0] =	ssyncadd.s32 @!p0 s1  }
0xbd: {  	[bflag:$0x3] =	sbarrier.arrive $0xFFFF  }
0xbe: {  	_ =	shalt  }

</sc_bundles>
